<compile_context>
chip_gen: v7x
topology: tpu7x:2x2x1
jax: 0.10.2.dev20260603
libtpu: 0.0.44.dev20260713+nightly
codegen_flags: <defaults>
</compile_context>

<pallas_src>
import functools

import jax
import jax.numpy as jnp
from jax import lax
from jax.experimental import pallas as pl
from jax.experimental.pallas import tpu as pltpu
from jax.experimental.pallas import tpu_sc as plsc

_INFO = plsc.get_sparse_core_info()
_NC = _INFO.num_cores
_NS = _INFO.num_subcores
_L = _INFO.num_lanes
_NW = _NC * _NS

_NBUF = 4


@functools.lru_cache(maxsize=None)
def _make_sc_pool(B, S, V, E):
    rows_w = B // _NW
    ech = E // _L
    ca = 104
    cb = S - ca
    assert ca % 8 == 0 and cb % 8 == 0 and S % 8 == 0
    inv_s = 1.0 / S

    mesh = plsc.VectorSubcoreMesh(core_axis_name="c", subcore_axis_name="s")

    scratch = [
        pltpu.VMEM((rows_w, S), jnp.int32),
        pltpu.VMEM((_NBUF, ca, E), jnp.float32),
        pltpu.VMEM((rows_w, E), jnp.float32),
    ]
    scratch += [pltpu.SemaphoreType.DMA] * _NBUF

    @functools.partial(
        pl.kernel,
        out_type=jax.ShapeDtypeStruct((B, E), jnp.float32),
        mesh=mesh,
        scratch_types=scratch,
        compiler_params=pltpu.CompilerParams(use_tc_tiling_on_sc=False),
    )
    def sc_pool(x_hbm, table_hbm, out_hbm, idx_v, bufs, res_v, *gsem):
        cid = lax.axis_index("c")
        sid = lax.axis_index("s")
        wid = sid * _NC + cid

        pltpu.sync_copy(x_hbm.at[pl.ds(wid * rows_w, rows_w), :], idx_v)

        def fire_row(r, b0):
            pltpu.async_copy(
                table_hbm.at[idx_v.at[r, pl.ds(0, ca)]],
                bufs.at[b0, pl.ds(0, ca)], gsem[b0])
            pltpu.async_copy(
                table_hbm.at[idx_v.at[r, pl.ds(ca, cb)]],
                bufs.at[b0 + 1, pl.ds(0, cb)], gsem[b0 + 1])

        def wait_row(b0):
            pltpu.make_async_copy(
                table_hbm.at[idx_v.at[0, pl.ds(0, ca)]],
                bufs.at[b0, pl.ds(0, ca)], gsem[b0]).wait()
            pltpu.make_async_copy(
                table_hbm.at[idx_v.at[0, pl.ds(ca, cb)]],
                bufs.at[b0 + 1, pl.ds(0, cb)], gsem[b0 + 1]).wait()

        zero = jnp.zeros((_L,), jnp.float32)

        def accum(b0, accs):
            un = 8

            def mk_body(b, base):
                def body(i, a):
                    s0 = base + i * un
                    a = list(a)
                    for u in range(un):
                        for d in range(ech):
                            a[d] = a[d] + bufs[b, s0 + u, pl.ds(d * _L, _L)]
                    return tuple(a)

                return body

            accs = lax.fori_loop(0, ca // un, mk_body(b0, 0), accs)
            accs = lax.fori_loop(0, cb // un, mk_body(b0 + 1, 0), accs)
            return accs

        fire_row(0, 0)
        fire_row(1, 2)

        def row_body(r, carry):
            b0 = 0
            wait_row(b0)
            accs = accum(b0, (zero,) * ech)

            @pl.when(r + 2 < rows_w)
            def _():
                fire_row(r + 2, b0)

            for d in range(ech):
                res_v[r, pl.ds(d * _L, _L)] = accs[d]

            r1 = r + 1
            b1 = 2
            wait_row(b1)
            accs = accum(b1, (zero,) * ech)

            @pl.when(r1 + 2 < rows_w)
            def _():
                fire_row(r1 + 2, b1)

            for d in range(ech):
                res_v[r1, pl.ds(d * _L, _L)] = accs[d]

            return carry

        def pair_body(g, carry):
            return row_body(g * 2, carry)

        lax.fori_loop(0, rows_w // 2, pair_body, 0)
        pltpu.sync_copy(res_v, out_hbm.at[pl.ds(wid * rows_w, rows_w)])

    return sc_pool


def _head_body(s_ref, w_ref, b_ref, o_ref, *, inv_s):
    acc = jnp.dot(s_ref[...], w_ref[...], preferred_element_type=jnp.float32)
    o_ref[...] = acc * inv_s + b_ref[...]


def kernel(x, embed_table, fc_w, fc_b):
    B = x.shape[1]
    S = x.shape[3]
    V, E = embed_table.shape
    C = fc_w.shape[0]

    xi = x.reshape(B, S).astype(jnp.int32)
    sums = _make_sc_pool(B, S, V, E)(xi, embed_table.astype(jnp.float32))

    head = pl.pallas_call(
        functools.partial(_head_body, inv_s=1.0 / S),
        out_shape=jax.ShapeDtypeStruct((B, C), jnp.float32),
    )
    w_t = jnp.transpose(fc_w).astype(jnp.float32)
    return head(sums, w_t, fc_b.reshape(1, C).astype(jnp.float32))

# --- scband reference (transcript-rebuilt; emitter-appended) ---
"""Pipeline reference for scband-lr-16913581212241 (READ-ONLY COPY).

The authoritative reference and input builder live on the scoring server;
editing this copy changes nothing except your own understanding.
"""

import jax, jax.numpy as jnp
import numpy as np

VOCAB = 1000000
EMBED_DIM = 64
BATCH = 4096
SEQ = 200
NUM_CLASSES = 2


def setup_inputs(seed: int = 0) -> dict:
    key = jax.random.key(seed)
    k1, k2, k3, k4 = jax.random.split(key, 4)
    # forward arg: x with len(x)==1 branch shape [1, B, 1, S]
    x = jax.random.randint(k1, (1, BATCH, 1, SEQ), 0, VOCAB)
    # learned params
    embed_table = jax.random.normal(k2, (VOCAB, EMBED_DIM), dtype=jnp.float32)
    fc_w = jax.random.normal(k3, (NUM_CLASSES, EMBED_DIM), dtype=jnp.float32) * 0.05
    fc_b = jax.random.normal(k4, (NUM_CLASSES,), dtype=jnp.float32) * 0.05
    return {"x": x, "embed_table": embed_table, "fc_w": fc_w, "fc_b": fc_b}


def reference(x, embed_table, fc_w, fc_b):
    # len(x) == 1 branch of LR.forward, mean=True
    e = jnp.take(embed_table, x, axis=0)        # [1, B, 1, S, E]  (embedding gather)
    e = e[0]                                    # squeeze(0) -> [B, 1, S, E]
    e = jnp.mean(e, axis=2)                     # mean over dim=2 -> [B, 1, E]
    e = jnp.squeeze(e, axis=1)                  # squeeze(1) -> [B, E]
    # dropout is identity in eval mode
    out = e @ fc_w.T + fc_b                     # Linear(1*embed_dim -> num_classes)
    return out

if __name__ == "__main__":
    import jax
    _d = setup_inputs()
    print(jax.jit(kernel)(*tuple(_d.values())))

</pallas_src>

<mosaic_0001>
#map = affine_map<(d0, d1) -> (0, 0)>
module attributes {stable_mosaic.version = 14 : i64} {
  func.func @sc_pool(%arg0: i32, %arg1: i32, %arg2: memref<4096x200xi32, #tpu.memory_space<hbm>>, %arg3: memref<1000000x64xf32, #tpu.memory_space<hbm>>, %arg4: memref<4096x64xf32, #tpu.memory_space<hbm>>, %arg5: memref<128x200xi32, #tpu.memory_space<vmem>>, %arg6: memref<4x104x64xf32, #tpu.memory_space<vmem>>, %arg7: memref<128x64xf32, #tpu.memory_space<vmem>>, %arg8: memref<!tpu.dma_semaphore, #tpu.memory_space<semaphore_mem>>, %arg9: memref<!tpu.dma_semaphore, #tpu.memory_space<semaphore_mem>>, %arg10: memref<!tpu.dma_semaphore, #tpu.memory_space<semaphore_mem>>, %arg11: memref<!tpu.dma_semaphore, #tpu.memory_space<semaphore_mem>>) attributes {dimension_semantics = [#tpu.dimension_semantics<core_parallel>, #tpu.dimension_semantics<subcore_parallel>], iteration_bounds = array<i64: 2, 16>, scalar_prefetch = 0 : i64, scratch_operands = 7 : i64, tpu.core_type = #tpu.core_type<sc_vector_subcore>, window_params = [{transform_indices = #map}, {transform_indices = #map}, {transform_indices = #map}]} {
    %mul3A = arith.constant 2 : i32
    %mul3A_0 = arith.muli %arg1, %mul3A : i32
    %add3A = arith.addi %mul3A_0, %arg0 : i32
    %mul3A_1 = arith.constant 128 : i32
    %mul3A_2 = arith.muli %add3A, %mul3A_1 : i32
    "tpu.region"() ({
      %run_scoped3A = tpu.sem_alloc : memref<!tpu.dma_semaphore, #tpu.memory_space<semaphore_mem>>
      %dma_start3A_58 = arith.constant 0 : i32
      %dma_start3A_59 = tpu.memref_slice %arg2[%mul3A_2, %dma_start3A_58] : memref<4096x200xi32, #tpu.memory_space<hbm>> -> memref<128x200xi32, #tpu.memory_space<hbm>>
      %dma_start3A_60 = arith.constant 0 : i32
      %dma_start3A_61 = tpu.memref_slice %arg2[%mul3A_2, %dma_start3A_60] : memref<4096x200xi32, #tpu.memory_space<hbm>> -> memref<128x200xi32, #tpu.memory_space<hbm>>
      tpu.enqueue_dma source(%dma_start3A_61 : memref<128x200xi32, #tpu.memory_space<hbm>>) target(%arg5 : memref<128x200xi32, #tpu.memory_space<vmem>>) target_semaphore(%run_scoped3A : memref<!tpu.dma_semaphore, #tpu.memory_space<semaphore_mem>>)
      %dma_wait3A = arith.constant 0 : i32
      %dma_wait3A_62 = tpu.memref_slice %arg2[%mul3A_2, %dma_wait3A] : memref<4096x200xi32, #tpu.memory_space<hbm>> -> memref<128x200xi32, #tpu.memory_space<hbm>>
      %dma_wait3A_63 = arith.constant 0 : i32
      %dma_wait3A_64 = tpu.memref_slice %arg2[%mul3A_2, %dma_wait3A_63] : memref<4096x200xi32, #tpu.memory_space<hbm>> -> memref<128x200xi32, #tpu.memory_space<hbm>>
      tpu.wait_dma2 semaphore(%run_scoped3A : memref<!tpu.dma_semaphore, #tpu.memory_space<semaphore_mem>>) src(%dma_wait3A_64 : memref<128x200xi32, #tpu.memory_space<hbm>>) dst(%arg5 : memref<128x200xi32, #tpu.memory_space<vmem>>)
      tpu.yield
    }) : () -> ()
    %broadcast_in_dim3A = arith.constant 0.000000e+00 : f32
    %broadcast_in_dim3A_3 = vector.broadcast %broadcast_in_dim3A : f32 to vector<16xf32>
    %dma_start3A = arith.constant 0 : i32
    %dma_start3A_4 = arith.constant 0 : i32
    %dma_start3A_5 = arith.constant 0 : i32
    %dma_start3A_6 = arith.constant 0 : i32
    %dma_start3A_7 = tpu.memref_slice %arg6[%dma_start3A_4, %dma_start3A_5, %dma_start3A_6] : memref<4x104x64xf32, #tpu.memory_space<vmem>> -> memref<1x104x64xf32, #tpu.memory_space<vmem>>
    %dma_start3A_8 = tpu.memref_squeeze %dma_start3A_7 : memref<1x104x64xf32, #tpu.memory_space<vmem>> -> memref<104x64xf32, #tpu.memory_space<vmem>>
    %dma_start3A_9 = arith.constant 0 : i32
    %dma_start3A_10 = tpu.memref_slice %arg5[%dma_start3A, %dma_start3A_9] : memref<128x200xi32, #tpu.memory_space<vmem>> -> memref<1x104xi32, #tpu.memory_space<vmem>>
    %dma_start3A_11 = tpu.memref_squeeze %dma_start3A_10 : memref<1x104xi32, #tpu.memory_space<vmem>> -> memref<104xi32, #tpu.memory_space<vmem>>
    %dma_start3A_12 = arith.constant 0 : i32
    %dma_start3A_13 = arith.constant 0 : i32
    %dma_start3A_14 = tpu.memref_slice %arg3[%dma_start3A_12, %dma_start3A_13] : memref<1000000x64xf32, #tpu.memory_space<hbm>> -> memref<1000000x64xf32, #tpu.memory_space<hbm>>
    tpu.enqueue_indirect_dma source(%dma_start3A_14 : memref<1000000x64xf32, #tpu.memory_space<hbm>>) target(%dma_start3A_8 : memref<104x64xf32, #tpu.memory_space<vmem>>) offsets(%dma_start3A_11 : memref<104xi32, #tpu.memory_space<vmem>>) semaphore(%arg8 : memref<!tpu.dma_semaphore, #tpu.memory_space<semaphore_mem>>)
    %dma_start3A_15 = arith.constant 0 : i32
    %dma_start3A_16 = arith.constant 1 : i32
    %dma_start3A_17 = arith.constant 0 : i32
    %dma_start3A_18 = arith.constant 0 : i32
    %dma_start3A_19 = tpu.memref_slice %arg6[%dma_start3A_16, %dma_start3A_17, %dma_start3A_18] : memref<4x104x64xf32, #tpu.memory_space<vmem>> -> memref<1x96x64xf32, #tpu.memory_space<vmem>>
    %dma_start3A_20 = tpu.memref_squeeze %dma_start3A_19 : memref<1x96x64xf32, #tpu.memory_space<vmem>> -> memref<96x64xf32, #tpu.memory_space<vmem>>
    %dma_start3A_21 = arith.constant 104 : i32
    %dma_start3A_22 = tpu.memref_slice %arg5[%dma_start3A_15, %dma_start3A_21] : memref<128x200xi32, #tpu.memory_space<vmem>> -> memref<1x96xi32, #tpu.memory_space<vmem>>
    %dma_start3A_23 = tpu.memref_squeeze %dma_start3A_22 : memref<1x96xi32, #tpu.memory_space<vmem>> -> memref<96xi32, #tpu.memory_space<vmem>>
    %dma_start3A_24 = arith.constant 0 : i32
    %dma_start3A_25 = arith.constant 0 : i32
    %dma_start3A_26 = tpu.memref_slice %arg3[%dma_start3A_24, %dma_start3A_25] : memref<1000000x64xf32, #tpu.memory_space<hbm>> -> memref<1000000x64xf32, #tpu.memory_space<hbm>>
    tpu.enqueue_indirect_dma source(%dma_start3A_26 : memref<1000000x64xf32, #tpu.memory_space<hbm>>) target(%dma_start3A_20 : memref<96x64xf32, #tpu.memory_space<vmem>>) offsets(%dma_start3A_23 : memref<96xi32, #tpu.memory_space<vmem>>) semaphore(%arg9 : memref<!tpu.dma_semaphore, #tpu.memory_space<semaphore_mem>>)
    %dma_start3A_27 = arith.constant 1 : i32
    %dma_start3A_28 = arith.constant 2 : i32
    %dma_start3A_29 = arith.constant 0 : i32
    %dma_start3A_30 = arith.constant 0 : i32
    %dma_start3A_31 = tpu.memref_slice %arg6[%dma_start3A_28, %dma_start3A_29, %dma_start3A_30] : memref<4x104x64xf32, #tpu.memory_space<vmem>> -> memref<1x104x64xf32, #tpu.memory_space<vmem>>
    %dma_start3A_32 = tpu.memref_squeeze %dma_start3A_31 : memref<1x104x64xf32, #tpu.memory_space<vmem>> -> memref<104x64xf32, #tpu.memory_space<vmem>>
    %dma_start3A_33 = arith.constant 0 : i32
    %dma_start3A_34 = tpu.memref_slice %arg5[%dma_start3A_27, %dma_start3A_33] : memref<128x200xi32, #tpu.memory_space<vmem>> -> memref<1x104xi32, #tpu.memory_space<vmem>>
    %dma_start3A_35 = tpu.memref_squeeze %dma_start3A_34 : memref<1x104xi32, #tpu.memory_space<vmem>> -> memref<104xi32, #tpu.memory_space<vmem>>
    %dma_start3A_36 = arith.constant 0 : i32
    %dma_start3A_37 = arith.constant 0 : i32
    %dma_start3A_38 = tpu.memref_slice %arg3[%dma_start3A_36, %dma_start3A_37] : memref<1000000x64xf32, #tpu.memory_space<hbm>> -> memref<1000000x64xf32, #tpu.memory_space<hbm>>
    tpu.enqueue_indirect_dma source(%dma_start3A_38 : memref<1000000x64xf32, #tpu.memory_space<hbm>>) target(%dma_start3A_32 : memref<104x64xf32, #tpu.memory_space<vmem>>) offsets(%dma_start3A_35 : memref<104xi32, #tpu.memory_space<vmem>>) semaphore(%arg10 : memref<!tpu.dma_semaphore, #tpu.memory_space<semaphore_mem>>)
    %dma_start3A_39 = arith.constant 1 : i32
    %dma_start3A_40 = arith.constant 3 : i32
    %dma_start3A_41 = arith.constant 0 : i32
    %dma_start3A_42 = arith.constant 0 : i32
    %dma_start3A_43 = tpu.memref_slice %arg6[%dma_start3A_40, %dma_start3A_41, %dma_start3A_42] : memref<4x104x64xf32, #tpu.memory_space<vmem>> -> memref<1x96x64xf32, #tpu.memory_space<vmem>>
    %dma_start3A_44 = tpu.memref_squeeze %dma_start3A_43 : memref<1x96x64xf32, #tpu.memory_space<vmem>> -> memref<96x64xf32, #tpu.memory_space<vmem>>
    %dma_start3A_45 = arith.constant 104 : i32
    %dma_start3A_46 = tpu.memref_slice %arg5[%dma_start3A_39, %dma_start3A_45] : memref<128x200xi32, #tpu.memory_space<vmem>> -> memref<1x96xi32, #tpu.memory_space<vmem>>
    %dma_start3A_47 = tpu.memref_squeeze %dma_start3A_46 : memref<1x96xi32, #tpu.memory_space<vmem>> -> memref<96xi32, #tpu.memory_space<vmem>>
    %dma_start3A_48 = arith.constant 0 : i32
    %dma_start3A_49 = arith.constant 0 : i32
    %dma_start3A_50 = tpu.memref_slice %arg3[%dma_start3A_48, %dma_start3A_49] : memref<1000000x64xf32, #tpu.memory_space<hbm>> -> memref<1000000x64xf32, #tpu.memory_space<hbm>>
    tpu.enqueue_indirect_dma source(%dma_start3A_50 : memref<1000000x64xf32, #tpu.memory_space<hbm>>) target(%dma_start3A_44 : memref<96x64xf32, #tpu.memory_space<vmem>>) offsets(%dma_start3A_47 : memref<96xi32, #tpu.memory_space<vmem>>) semaphore(%arg11 : memref<!tpu.dma_semaphore, #tpu.memory_space<semaphore_mem>>)
    %scan3A = arith.constant 0 : i32
    %scan3A_51 = arith.constant 0 : i32
    %scan3A_52 = arith.constant 64 : i32
    %scan3A_53 = arith.addi %scan3A_51, %scan3A_52 : i32
    %scan3A_54 = arith.constant 1 : i32
    scf.for %scan3A_58 = %scan3A_51 to %scan3A_53 step %scan3A_54  : i32 {
      %mul3A_59 = arith.constant 2 : i32
      %mul3A_60 = arith.muli %scan3A_58, %mul3A_59 : i32
      %dma_wait3A = arith.constant 0 : i32
      %dma_wait3A_61 = arith.constant 0 : i32
      %dma_wait3A_62 = arith.constant 0 : i32
      %dma_wait3A_63 = arith.constant 0 : i32
      %dma_wait3A_64 = tpu.memref_slice %arg6[%dma_wait3A_61, %dma_wait3A_62, %dma_wait3A_63] : memref<4x104x64xf32, #tpu.memory_space<vmem>> -> memref<1x104x64xf32, #tpu.memory_space<vmem>>
      %dma_wait3A_65 = tpu.memref_squeeze %dma_wait3A_64 : memref<1x104x64xf32, #tpu.memory_space<vmem>> -> memref<104x64xf32, #tpu.memory_space<vmem>>
      %dma_wait3A_66 = arith.constant 0 : i32
      %dma_wait3A_67 = tpu.memref_slice %arg5[%dma_wait3A, %dma_wait3A_66] : memref<128x200xi32, #tpu.memory_space<vmem>> -> memref<1x104xi32, #tpu.memory_space<vmem>>
      %dma_wait3A_68 = tpu.memref_squeeze %dma_wait3A_67 : memref<1x104xi32, #tpu.memory_space<vmem>> -> memref<104xi32, #tpu.memory_space<vmem>>
      %dma_wait3A_69 = arith.constant 0 : i32
      %dma_wait3A_70 = arith.constant 0 : i32
      %dma_wait3A_71 = tpu.memref_slice %arg3[%dma_wait3A_69, %dma_wait3A_70] : memref<1000000x64xf32, #tpu.memory_space<hbm>> -> memref<1000000x64xf32, #tpu.memory_space<hbm>>
      tpu.wait_indirect_dma semaphore(%arg8 : memref<!tpu.dma_semaphore, #tpu.memory_space<semaphore_mem>>) src(%dma_wait3A_71 : memref<1000000x64xf32, #tpu.memory_space<hbm>>) dst(%dma_wait3A_65 : memref<104x64xf32, #tpu.memory_space<vmem>>)
      %dma_wait3A_72 = arith.constant 0 : i32
      %dma_wait3A_73 = arith.constant 1 : i32
      %dma_wait3A_74 = arith.constant 0 : i32
      %dma_wait3A_75 = arith.constant 0 : i32
      %dma_wait3A_76 = tpu.memref_slice %arg6[%dma_wait3A_73, %dma_wait3A_74, %dma_wait3A_75] : memref<4x104x64xf32, #tpu.memory_space<vmem>> -> memref<1x96x64xf32, #tpu.memory_space<vmem>>
      %dma_wait3A_77 = tpu.memref_squeeze %dma_wait3A_76 : memref<1x96x64xf32, #tpu.memory_space<vmem>> -> memref<96x64xf32, #tpu.memory_space<vmem>>
      %dma_wait3A_78 = arith.constant 104 : i32
      %dma_wait3A_79 = tpu.memref_slice %arg5[%dma_wait3A_72, %dma_wait3A_78] : memref<128x200xi32, #tpu.memory_space<vmem>> -> memref<1x96xi32, #tpu.memory_space<vmem>>
      %dma_wait3A_80 = tpu.memref_squeeze %dma_wait3A_79 : memref<1x96xi32, #tpu.memory_space<vmem>> -> memref<96xi32, #tpu.memory_space<vmem>>
      %dma_wait3A_81 = arith.constant 0 : i32
      %dma_wait3A_82 = arith.constant 0 : i32
      %dma_wait3A_83 = tpu.memref_slice %arg3[%dma_wait3A_81, %dma_wait3A_82] : memref<1000000x64xf32, #tpu.memory_space<hbm>> -> memref<1000000x64xf32, #tpu.memory_space<hbm>>
      tpu.wait_indirect_dma semaphore(%arg9 : memref<!tpu.dma_semaphore, #tpu.memory_space<semaphore_mem>>) src(%dma_wait3A_83 : memref<1000000x64xf32, #tpu.memory_space<hbm>>) dst(%dma_wait3A_77 : memref<96x64xf32, #tpu.memory_space<vmem>>)
      %scan3A_84 = arith.constant 0 : i32
      %scan3A_85 = arith.constant 13 : i32
      %scan3A_86 = arith.addi %scan3A_84, %scan3A_85 : i32
      %scan3A_87 = arith.constant 1 : i32
      %scan3A_88:4 = scf.for %scan3A_184 = %scan3A_84 to %scan3A_86 step %scan3A_87 iter_args(%scan3A_185 = %broadcast_in_dim3A_3, %scan3A_186 = %broadcast_in_dim3A_3, %scan3A_187 = %broadcast_in_dim3A_3, %scan3A_188 = %broadcast_in_dim3A_3) -> (vector<16xf32>, vector<16xf32>, vector<16xf32>, vector<16xf32>)  : i32 {
        %mul3A_189 = arith.constant 8 : i32
        %mul3A_190 = arith.muli %scan3A_184, %mul3A_189 : i32
        %add3A_191 = arith.constant 0 : i32
        %add3A_192 = arith.addi %add3A_191, %mul3A_190 : i32
        %add3A_193 = arith.constant 0 : i32
        %add3A_194 = arith.addi %add3A_192, %add3A_193 : i32
        %get3A = arith.constant 0 : i32
        %get3A_195 = arith.index_cast %get3A : i32 to index
        %get3A_196 = arith.index_cast %add3A_194 : i32 to index
        %get3A_197 = arith.constant 0 : index
        %get3A_198 = tpu.vector_load %arg6[%get3A_195, %get3A_196, %get3A_197] {strides = array<i32>} : memref<4x104x64xf32, #tpu.memory_space<vmem>>, vector<1x1x16xf32>,
        %get3A_199 = vector.shape_cast %get3A_198 : vector<1x1x16xf32> to vector<16xf32>
        %add3A_200 = arith.addf %scan3A_185, %get3A_199 : vector<16xf32>
        %add3A_201 = arith.constant 0 : i32
        %add3A_202 = arith.addi %add3A_192, %add3A_201 : i32
        %get3A_203 = arith.constant 0 : i32
        %get3A_204 = arith.index_cast %get3A_203 : i32 to index
        %get3A_205 = arith.index_cast %add3A_202 : i32 to index
        %get3A_206 = arith.constant 16 : index
        %get3A_207 = tpu.vector_load %arg6[%get3A_204, %get3A_205, %get3A_206] {strides = array<i32>} : memref<4x104x64xf32, #tpu.memory_space<vmem>>, vector<1x1x16xf32>,
        %get3A_208 = vector.shape_cast %get3A_207 : vector<1x1x16xf32> to vector<16xf32>
        %add3A_209 = arith.addf %scan3A_186, %get3A_208 : vector<16xf32>
        %add3A_210 = arith.constant 0 : i32
        %add3A_211 = arith.addi %add3A_192, %add3A_210 : i32
        %get3A_212 = arith.constant 0 : i32
        %get3A_213 = arith.index_cast %get3A_212 : i32 to index
        %get3A_214 = arith.index_cast %add3A_211 : i32 to index
        %get3A_215 = arith.constant 32 : index
        %get3A_216 = tpu.vector_load %arg6[%get3A_213, %get3A_214, %get3A_215] {strides = array<i32>} : memref<4x104x64xf32, #tpu.memory_space<vmem>>, vector<1x1x16xf32>,
        %get3A_217 = vector.shape_cast %get3A_216 : vector<1x1x16xf32> to vector<16xf32>
        %add3A_218 = arith.addf %scan3A_187, %get3A_217 : vector<16xf32>
        %add3A_219 = arith.constant 0 : i32
        %add3A_220 = arith.addi %add3A_192, %add3A_219 : i32
        %get3A_221 = arith.constant 0 : i32
        %get3A_222 = arith.index_cast %get3A_221 : i32 to index
        %get3A_223 = arith.index_cast %add3A_220 : i32 to index
        %get3A_224 = arith.constant 48 : index
        %get3A_225 = tpu.vector_load %arg6[%get3A_222, %get3A_223, %get3A_224] {strides = array<i32>} : memref<4x104x64xf32, #tpu.memory_space<vmem>>, vector<1x1x16xf32>,
        %get3A_226 = vector.shape_cast %get3A_225 : vector<1x1x16xf32> to vector<16xf32>
        %add3A_227 = arith.addf %scan3A_188, %get3A_226 : vector<16xf32>
        %add3A_228 = arith.constant 1 : i32
        %add3A_229 = arith.addi %add3A_192, %add3A_228 : i32
        %get3A_230 = arith.constant 0 : i32
        %get3A_231 = arith.index_cast %get3A_230 : i32 to index
        %get3A_232 = arith.index_cast %add3A_229 : i32 to index
        %get3A_233 = arith.constant 0 : index
        %get3A_234 = tpu.vector_load %arg6[%get3A_231, %get3A_232, %get3A_233] {strides = array<i32>} : memref<4x104x64xf32, #tpu.memory_space<vmem>>, vector<1x1x16xf32>,
        %get3A_235 = vector.shape_cast %get3A_234 : vector<1x1x16xf32> to vector<16xf32>
        %add3A_236 = arith.addf %add3A_200, %get3A_235 : vector<16xf32>
        %add3A_237 = arith.constant 1 : i32
        %add3A_238 = arith.addi %add3A_192, %add3A_237 : i32
        %get3A_239 = arith.constant 0 : i32
        %get3A_240 = arith.index_cast %get3A_239 : i32 to index
        %get3A_241 = arith.index_cast %add3A_238 : i32 to index
        %get3A_242 = arith.constant 16 : index
        %get3A_243 = tpu.vector_load %arg6[%get3A_240, %get3A_241, %get3A_242] {strides = array<i32>} : memref<4x104x64xf32, #tpu.memory_space<vmem>>, vector<1x1x16xf32>,
        %get3A_244 = vector.shape_cast %get3A_243 : vector<1x1x16xf32> to vector<16xf32>
        %add3A_245 = arith.addf %add3A_209, %get3A_244 : vector<16xf32>
        %add3A_246 = arith.constant 1 : i32
        %add3A_247 = arith.addi %add3A_192, %add3A_246 : i32
        %get3A_248 = arith.constant 0 : i32
        %get3A_249 = arith.index_cast %get3A_248 : i32 to index
        %get3A_250 = arith.index_cast %add3A_247 : i32 to index
        %get3A_251 = arith.constant 32 : index
        %get3A_252 = tpu.vector_load %arg6[%get3A_249, %get3A_250, %get3A_251] {strides = array<i32>} : memref<4x104x64xf32, #tpu.memory_space<vmem>>, vector<1x1x16xf32>,
        %get3A_253 = vector.shape_cast %get3A_252 : vector<1x1x16xf32> to vector<16xf32>
        %add3A_254 = arith.addf %add3A_218, %get3A_253 : vector<16xf32>
        %add3A_255 = arith.constant 1 : i32
        %add3A_256 = arith.addi %add3A_192, %add3A_255 : i32
        %get3A_257 = arith.constant 0 : i32
        %get3A_258 = arith.index_cast %get3A_257 : i32 to index
        %get3A_259 = arith.index_cast %add3A_256 : i32 to index
        %get3A_260 = arith.constant 48 : index
        %get3A_261 = tpu.vector_load %arg6[%get3A_258, %get3A_259, %get3A_260] {strides = array<i32>} : memref<4x104x64xf32, #tpu.memory_space<vmem>>, vector<1x1x16xf32>,
        %get3A_262 = vector.shape_cast %get3A_261 : vector<1x1x16xf32> to vector<16xf32>
        %add3A_263 = arith.addf %add3A_227, %get3A_262 : vector<16xf32>
        %add3A_264 = arith.constant 2 : i32
        %add3A_265 = arith.addi %add3A_192, %add3A_264 : i32
        %get3A_266 = arith.constant 0 : i32
        %get3A_267 = arith.index_cast %get3A_266 : i32 to index
        %get3A_268 = arith.index_cast %add3A_265 : i32 to index
        %get3A_269 = arith.constant 0 : index
        %get3A_270 = tpu.vector_load %arg6[%get3A_267, %get3A_268, %get3A_269] {strides = array<i32>} : memref<4x104x64xf32, #tpu.memory_space<vmem>>, vector<1x1x16xf32>,
        %get3A_271 = vector.shape_cast %get3A_270 : vector<1x1x16xf32> to vector<16xf32>
        %add3A_272 = arith.addf %add3A_236, %get3A_271 : vector<16xf32>
        %add3A_273 = arith.constant 2 : i32
        %add3A_274 = arith.addi %add3A_192, %add3A_273 : i32
        %get3A_275 = arith.constant 0 : i32
        %get3A_276 = arith.index_cast %get3A_275 : i32 to index
        %get3A_277 = arith.index_cast %add3A_274 : i32 to index
        %get3A_278 = arith.constant 16 : index
        %get3A_279 = tpu.vector_load %arg6[%get3A_276, %get3A_277, %get3A_278] {strides = array<i32>} : memref<4x104x64xf32, #tpu.memory_space<vmem>>, vector<1x1x16xf32>,
        %get3A_280 = vector.shape_cast %get3A_279 : vector<1x1x16xf32> to vector<16xf32>
        %add3A_281 = arith.addf %add3A_245, %get3A_280 : vector<16xf32>
        %add3A_282 = arith.constant 2 : i32
        %add3A_283 = arith.addi %add3A_192, %add3A_282 : i32
        %get3A_284 = arith.constant 0 : i32
        %get3A_285 = arith.index_cast %get3A_284 : i32 to index
        %get3A_286 = arith.index_cast %add3A_283 : i32 to index
        %get3A_287 = arith.constant 32 : index
        %get3A_288 = tpu.vector_load %arg6[%get3A_285, %get3A_286, %get3A_287] {strides = array<i32>} : memref<4x104x64xf32, #tpu.memory_space<vmem>>, vector<1x1x16xf32>,
        %get3A_289 = vector.shape_cast %get3A_288 : vector<1x1x16xf32> to vector<16xf32>
        %add3A_290 = arith.addf %add3A_254, %get3A_289 : vector<16xf32>
        %add3A_291 = arith.constant 2 : i32
        %add3A_292 = arith.addi %add3A_192, %add3A_291 : i32
        %get3A_293 = arith.constant 0 : i32
        %get3A_294 = arith.index_cast %get3A_293 : i32 to index
        %get3A_295 = arith.index_cast %add3A_292 : i32 to index
        %get3A_296 = arith.constant 48 : index
        %get3A_297 = tpu.vector_load %arg6[%get3A_294, %get3A_295, %get3A_296] {strides = array<i32>} : memref<4x104x64xf32, #tpu.memory_space<vmem>>, vector<1x1x16xf32>,
        %get3A_298 = vector.shape_cast %get3A_297 : vector<1x1x16xf32> to vector<16xf32>
        %add3A_299 = arith.addf %add3A_263, %get3A_298 : vector<16xf32>
        %add3A_300 = arith.constant 3 : i32
        %add3A_301 = arith.addi %add3A_192, %add3A_300 : i32
        %get3A_302 = arith.constant 0 : i32
        %get3A_303 = arith.index_cast %get3A_302 : i32 to index
        %get3A_304 = arith.index_cast %add3A_301 : i32 to index
        %get3A_305 = arith.constant 0 : index
        %get3A_306 = tpu.vector_load %arg6[%get3A_303, %get3A_304, %get3A_305] {strides = array<i32>} : memref<4x104x64xf32, #tpu.memory_space<vmem>>, vector<1x1x16xf32>,
        %get3A_307 = vector.shape_cast %get3A_306 : vector<1x1x16xf32> to vector<16xf32>
        %add3A_308 = arith.addf %add3A_272, %get3A_307 : vector<16xf32>
        %add3A_309 = arith.constant 3 : i32
        %add3A_310 = arith.addi %add3A_192, %add3A_309 : i32
        %get3A_311 = arith.constant 0 : i32
        %get3A_312 = arith.index_cast %get3A_311 : i32 to index
        %get3A_313 = arith.index_cast %add3A_310 : i32 to index
        %get3A_314 = arith.constant 16 : index
        %get3A_315 = tpu.vector_load %arg6[%get3A_312, %get3A_313, %get3A_314] {strides = array<i32>} : memref<4x104x64xf32, #tpu.memory_space<vmem>>, vector<1x1x16xf32>,
        %get3A_316 = vector.shape_cast %get3A_315 : vector<1x1x16xf32> to vector<16xf32>
        %add3A_317 = arith.addf %add3A_281, %get3A_316 : vector<16xf32>
        %add3A_318 = arith.constant 3 : i32
        %add3A_319 = arith.addi %add3A_192, %add3A_318 : i32
        %get3A_320 = arith.constant 0 : i32
        %get3A_321 = arith.index_cast %get3A_320 : i32 to index
        %get3A_322 = arith.index_cast %add3A_319 : i32 to index
        %get3A_323 = arith.constant 32 : index
        %get3A_324 = tpu.vector_load %arg6[%get3A_321, %get3A_322, %get3A_323] {strides = array<i32>} : memref<4x104x64xf32, #tpu.memory_space<vmem>>, vector<1x1x16xf32>,
        %get3A_325 = vector.shape_cast %get3A_324 : vector<1x1x16xf32> to vector<16xf32>
        %add3A_326 = arith.addf %add3A_290, %get3A_325 : vector<16xf32>
        %add3A_327 = arith.constant 3 : i32
        %add3A_328 = arith.addi %add3A_192, %add3A_327 : i32
        %get3A_329 = arith.constant 0 : i32
        %get3A_330 = arith.index_cast %get3A_329 : i32 to index
        %get3A_331 = arith.index_cast %add3A_328 : i32 to index
        %get3A_332 = arith.constant 48 : index
        %get3A_333 = tpu.vector_load %arg6[%get3A_330, %get3A_331, %get3A_332] {strides = array<i32>} : memref<4x104x64xf32, #tpu.memory_space<vmem>>, vector<1x1x16xf32>,
        %get3A_334 = vector.shape_cast %get3A_333 : vector<1x1x16xf32> to vector<16xf32>
        %add3A_335 = arith.addf %add3A_299, %get3A_334 : vector<16xf32>
        %add3A_336 = arith.constant 4 : i32
        %add3A_337 = arith.addi %add3A_192, %add3A_336 : i32
        %get3A_338 = arith.constant 0 : i32
        %get3A_339 = arith.index_cast %get3A_338 : i32 to index
        %get3A_340 = arith.index_cast %add3A_337 : i32 to index
        %get3A_341 = arith.constant 0 : index
        %get3A_342 = tpu.vector_load %arg6[%get3A_339, %get3A_340, %get3A_341] {strides = array<i32>} : memref<4x104x64xf32, #tpu.memory_space<vmem>>, vector<1x1x16xf32>,
        %get3A_343 = vector.shape_cast %get3A_342 : vector<1x1x16xf32> to vector<16xf32>
        %add3A_344 = arith.addf %add3A_308, %get3A_343 : vector<16xf32>
        %add3A_345 = arith.constant 4 : i32
        %add3A_346 = arith.addi %add3A_192, %add3A_345 : i32
        %get3A_347 = arith.constant 0 : i32
        %get3A_348 = arith.index_cast %get3A_347 : i32 to index
        %get3A_349 = arith.index_cast %add3A_346 : i32 to index
        %get3A_350 = arith.constant 16 : index
        %get3A_351 = tpu.vector_load %arg6[%get3A_348, %get3A_349, %get3A_350] {strides = array<i32>} : memref<4x104x64xf32, #tpu.memory_space<vmem>>, vector<1x1x16xf32>,
        %get3A_352 = vector.shape_cast %get3A_351 : vector<1x1x16xf32> to vector<16xf32>
        %add3A_353 = arith.addf %add3A_317, %get3A_352 : vector<16xf32>
        %add3A_354 = arith.constant 4 : i32
        %add3A_355 = arith.addi %add3A_192, %add3A_354 : i32
        %get3A_356 = arith.constant 0 : i32
        %get3A_357 = arith.index_cast %get3A_356 : i32 to index
        %get3A_358 = arith.index_cast %add3A_355 : i32 to index
        %get3A_359 = arith.constant 32 : index
        %get3A_360 = tpu.vector_load %arg6[%get3A_357, %get3A_358, %get3A_359] {strides = array<i32>} : memref<4x104x64xf32, #tpu.memory_space<vmem>>, vector<1x1x16xf32>,
        %get3A_361 = vector.shape_cast %get3A_360 : vector<1x1x16xf32> to vector<16xf32>
        %add3A_362 = arith.addf %add3A_326, %get3A_361 : vector<16xf32>
        %add3A_363 = arith.constant 4 : i32
        %add3A_364 = arith.addi %add3A_192, %add3A_363 : i32
        %get3A_365 = arith.constant 0 : i32
        %get3A_366 = arith.index_cast %get3A_365 : i32 to index
        %get3A_367 = arith.index_cast %add3A_364 : i32 to index
        %get3A_368 = arith.constant 48 : index
        %get3A_369 = tpu.vector_load %arg6[%get3A_366, %get3A_367, %get3A_368] {strides = array<i32>} : memref<4x104x64xf32, #tpu.memory_space<vmem>>, vector<1x1x16xf32>,
        %get3A_370 = vector.shape_cast %get3A_369 : vector<1x1x16xf32> to vector<16xf32>
        %add3A_371 = arith.addf %add3A_335, %get3A_370 : vector<16xf32>
        %add3A_372 = arith.constant 5 : i32
        %add3A_373 = arith.addi %add3A_192, %add3A_372 : i32
        %get3A_374 = arith.constant 0 : i32
        %get3A_375 = arith.index_cast %get3A_374 : i32 to index
        %get3A_376 = arith.index_cast %add3A_373 : i32 to index
        %get3A_377 = arith.constant 0 : index
        %get3A_378 = tpu.vector_load %arg6[%get3A_375, %get3A_376, %get3A_377] {strides = array<i32>} : memref<4x104x64xf32, #tpu.memory_space<vmem>>, vector<1x1x16xf32>,
        %get3A_379 = vector.shape_cast %get3A_378 : vector<1x1x16xf32> to vector<16xf32>
        %add3A_380 = arith.addf %add3A_344, %get3A_379 : vector<16xf32>
        %add3A_381 = arith.constant 5 : i32
        %add3A_382 = arith.addi %add3A_192, %add3A_381 : i32
        %get3A_383 = arith.constant 0 : i32
        %get3A_384 = arith.index_cast %get3A_383 : i32 to index
        %get3A_385 = arith.index_cast %add3A_382 : i32 to index
        %get3A_386 = arith.constant 16 : index
        %get3A_387 = tpu.vector_load %arg6[%get3A_384, %get3A_385, %get3A_386] {strides = array<i32>} : memref<4x104x64xf32, #tpu.memory_space<vmem>>, vector<1x1x16xf32>,
        %get3A_388 = vector.shape_cast %get3A_387 : vector<1x1x16xf32> to vector<16xf32>
        %add3A_389 = arith.addf %add3A_353, %get3A_388 : vector<16xf32>
        %add3A_390 = arith.constant 5 : i32
        %add3A_391 = arith.addi %add3A_192, %add3A_390 : i32
        %get3A_392 = arith.constant 0 : i32
        %get3A_393 = arith.index_cast %get3A_392 : i32 to index
        %get3A_394 = arith.index_cast %add3A_391 : i32 to index
        %get3A_395 = arith.constant 32 : index
        %get3A_396 = tpu.vector_load %arg6[%get3A_393, %get3A_394, %get3A_395] {strides = array<i32>} : memref<4x104x64xf32, #tpu.memory_space<vmem>>, vector<1x1x16xf32>,
        %get3A_397 = vector.shape_cast %get3A_396 : vector<1x1x16xf32> to vector<16xf32>
        %add3A_398 = arith.addf %add3A_362, %get3A_397 : vector<16xf32>
        %add3A_399 = arith.constant 5 : i32
        %add3A_400 = arith.addi %add3A_192, %add3A_399 : i32
        %get3A_401 = arith.constant 0 : i32
        %get3A_402 = arith.index_cast %get3A_401 : i32 to index
        %get3A_403 = arith.index_cast %add3A_400 : i32 to index
        %get3A_404 = arith.constant 48 : index
        %get3A_405 = tpu.vector_load %arg6[%get3A_402, %get3A_403, %get3A_404] {strides = array<i32>} : memref<4x104x64xf32, #tpu.memory_space<vmem>>, vector<1x1x16xf32>,
        %get3A_406 = vector.shape_cast %get3A_405 : vector<1x1x16xf32> to vector<16xf32>
        %add3A_407 = arith.addf %add3A_371, %get3A_406 : vector<16xf32>
        %add3A_408 = arith.constant 6 : i32
        %add3A_409 = arith.addi %add3A_192, %add3A_408 : i32
        %get3A_410 = arith.constant 0 : i32
        %get3A_411 = arith.index_cast %get3A_410 : i32 to index
        %get3A_412 = arith.index_cast %add3A_409 : i32 to index
        %get3A_413 = arith.constant 0 : index
        %get3A_414 = tpu.vector_load %arg6[%get3A_411, %get3A_412, %get3A_413] {strides = array<i32>} : memref<4x104x64xf32, #tpu.memory_space<vmem>>, vector<1x1x16xf32>,
        %get3A_415 = vector.shape_cast %get3A_414 : vector<1x1x16xf32> to vector<16xf32>
        %add3A_416 = arith.addf %add3A_380, %get3A_415 : vector<16xf32>
        %add3A_417 = arith.constant 6 : i32
        %add3A_418 = arith.addi %add3A_192, %add3A_417 : i32
        %get3A_419 = arith.constant 0 : i32
        %get3A_420 = arith.index_cast %get3A_419 : i32 to index
        %get3A_421 = arith.index_cast %add3A_418 : i32 to index
        %get3A_422 = arith.constant 16 : index
        %get3A_423 = tpu.vector_load %arg6[%get3A_420, %get3A_421, %get3A_422] {strides = array<i32>} : memref<4x104x64xf32, #tpu.memory_space<vmem>>, vector<1x1x16xf32>,
        %get3A_424 = vector.shape_cast %get3A_423 : vector<1x1x16xf32> to vector<16xf32>
        %add3A_425 = arith.addf %add3A_389, %get3A_424 : vector<16xf32>
        %add3A_426 = arith.constant 6 : i32
        %add3A_427 = arith.addi %add3A_192, %add3A_426 : i32
        %get3A_428 = arith.constant 0 : i32
        %get3A_429 = arith.index_cast %get3A_428 : i32 to index
        %get3A_430 = arith.index_cast %add3A_427 : i32 to index
        %get3A_431 = arith.constant 32 : index
        %get3A_432 = tpu.vector_load %arg6[%get3A_429, %get3A_430, %get3A_431] {strides = array<i32>} : memref<4x104x64xf32, #tpu.memory_space<vmem>>, vector<1x1x16xf32>,
        %get3A_433 = vector.shape_cast %get3A_432 : vector<1x1x16xf32> to vector<16xf32>
        %add3A_434 = arith.addf %add3A_398, %get3A_433 : vector<16xf32>
        %add3A_435 = arith.constant 6 : i32
        %add3A_436 = arith.addi %add3A_192, %add3A_435 : i32
        %get3A_437 = arith.constant 0 : i32
        %get3A_438 = arith.index_cast %get3A_437 : i32 to index
        %get3A_439 = arith.index_cast %add3A_436 : i32 to index
        %get3A_440 = arith.constant 48 : index
        %get3A_441 = tpu.vector_load %arg6[%get3A_438, %get3A_439, %get3A_440] {strides = array<i32>} : memref<4x104x64xf32, #tpu.memory_space<vmem>>, vector<1x1x16xf32>,
        %get3A_442 = vector.shape_cast %get3A_441 : vector<1x1x16xf32> to vector<16xf32>
        %add3A_443 = arith.addf %add3A_407, %get3A_442 : vector<16xf32>
        %add3A_444 = arith.constant 7 : i32
        %add3A_445 = arith.addi %add3A_192, %add3A_444 : i32
        %get3A_446 = arith.constant 0 : i32
        %get3A_447 = arith.index_cast %get3A_446 : i32 to index
        %get3A_448 = arith.index_cast %add3A_445 : i32 to index
        %get3A_449 = arith.constant 0 : index
        %get3A_450 = tpu.vector_load %arg6[%get3A_447, %get3A_448, %get3A_449] {strides = array<i32>} : memref<4x104x64xf32, #tpu.memory_space<vmem>>, vector<1x1x16xf32>,
        %get3A_451 = vector.shape_cast %get3A_450 : vector<1x1x16xf32> to vector<16xf32>
        %add3A_452 = arith.addf %add3A_416, %get3A_451 : vector<16xf32>
        %add3A_453 = arith.constant 7 : i32
        %add3A_454 = arith.addi %add3A_192, %add3A_453 : i32
        %get3A_455 = arith.constant 0 : i32
        %get3A_456 = arith.index_cast %get3A_455 : i32 to index
        %get3A_457 = arith.index_cast %add3A_454 : i32 to index
        %get3A_458 = arith.constant 16 : index
        %get3A_459 = tpu.vector_load %arg6[%get3A_456, %get3A_457, %get3A_458] {strides = array<i32>} : memref<4x104x64xf32, #tpu.memory_space<vmem>>, vector<1x1x16xf32>,
        %get3A_460 = vector.shape_cast %get3A_459 : vector<1x1x16xf32> to vector<16xf32>
        %add3A_461 = arith.addf %add3A_425, %get3A_460 : vector<16xf32>
        %add3A_462 = arith.constant 7 : i32
        %add3A_463 = arith.addi %add3A_192, %add3A_462 : i32
        %get3A_464 = arith.constant 0 : i32
        %get3A_465 = arith.index_cast %get3A_464 : i32 to index
        %get3A_466 = arith.index_cast %add3A_463 : i32 to index
        %get3A_467 = arith.constant 32 : index
        %get3A_468 = tpu.vector_load %arg6[%get3A_465, %get3A_466, %get3A_467] {strides = array<i32>} : memref<4x104x64xf32, #tpu.memory_space<vmem>>, vector<1x1x16xf32>,
        %get3A_469 = vector.shape_cast %get3A_468 : vector<1x1x16xf32> to vector<16xf32>
        %add3A_470 = arith.addf %add3A_434, %get3A_469 : vector<16xf32>
        %add3A_471 = arith.constant 7 : i32
        %add3A_472 = arith.addi %add3A_192, %add3A_471 : i32
        %get3A_473 = arith.constant 0 : i32
        %get3A_474 = arith.index_cast %get3A_473 : i32 to index
        %get3A_475 = arith.index_cast %add3A_472 : i32 to index
        %get3A_476 = arith.constant 48 : index
        %get3A_477 = tpu.vector_load %arg6[%get3A_474, %get3A_475, %get3A_476] {strides = array<i32>} : memref<4x104x64xf32, #tpu.memory_space<vmem>>, vector<1x1x16xf32>,
        %get3A_478 = vector.shape_cast %get3A_477 : vector<1x1x16xf32> to vector<16xf32>
        %add3A_479 = arith.addf %add3A_443, %get3A_478 : vector<16xf32>
        scf.yield %add3A_452, %add3A_461, %add3A_470, %add3A_479 : vector<16xf32>, vector<16xf32>, vector<16xf32>, vector<16xf32>
      }
      %scan3A_89 = arith.constant 13 : i32
      %scan3A_90 = arith.constant 0 : i32
      %scan3A_91 = arith.constant 12 : i32
      %scan3A_92 = arith.addi %scan3A_90, %scan3A_91 : i32
      %scan3A_93 = arith.constant 1 : i32
      %scan3A_94:4 = scf.for %scan3A_184 = %scan3A_90 to %scan3A_92 step %scan3A_93 iter_args(%scan3A_185 = %scan3A_88#0, %scan3A_186 = %scan3A_88#1, %scan3A_187 = %scan3A_88#2, %scan3A_188 = %scan3A_88#3) -> (vector<16xf32>, vector<16xf32>, vector<16xf32>, vector<16xf32>)  : i32 {
        %mul3A_189 = arith.constant 8 : i32
        %mul3A_190 = arith.muli %scan3A_184, %mul3A_189 : i32
        %add3A_191 = arith.constant 0 : i32
        %add3A_192 = arith.addi %add3A_191, %mul3A_190 : i32
        %add3A_193 = arith.constant 0 : i32
        %add3A_194 = arith.addi %add3A_192, %add3A_193 : i32
        %get3A = arith.constant 1 : i32
        %get3A_195 = arith.index_cast %get3A : i32 to index
        %get3A_196 = arith.index_cast %add3A_194 : i32 to index
        %get3A_197 = arith.constant 0 : index
        %get3A_198 = tpu.vector_load %arg6[%get3A_195, %get3A_196, %get3A_197] {strides = array<i32>} : memref<4x104x64xf32, #tpu.memory_space<vmem>>, vector<1x1x16xf32>,
        %get3A_199 = vector.shape_cast %get3A_198 : vector<1x1x16xf32> to vector<16xf32>
        %add3A_200 = arith.addf %scan3A_185, %get3A_199 : vector<16xf32>
        %add3A_201 = arith.constant 0 : i32
        %add3A_202 = arith.addi %add3A_192, %add3A_201 : i32
        %get3A_203 = arith.constant 1 : i32
        %get3A_204 = arith.index_cast %get3A_203 : i32 to index
        %get3A_205 = arith.index_cast %add3A_202 : i32 to index
        %get3A_206 = arith.constant 16 : index
        %get3A_207 = tpu.vector_load %arg6[%get3A_204, %get3A_205, %get3A_206] {strides = array<i32>} : memref<4x104x64xf32, #tpu.memory_space<vmem>>, vector<1x1x16xf32>,
        %get3A_208 = vector.shape_cast %get3A_207 : vector<1x1x16xf32> to vector<16xf32>
        %add3A_209 = arith.addf %scan3A_186, %get3A_208 : vector<16xf32>
        %add3A_210 = arith.constant 0 : i32
        %add3A_211 = arith.addi %add3A_192, %add3A_210 : i32
        %get3A_212 = arith.constant 1 : i32
        %get3A_213 = arith.index_cast %get3A_212 : i32 to index
        %get3A_214 = arith.index_cast %add3A_211 : i32 to index
        %get3A_215 = arith.constant 32 : index
        %get3A_216 = tpu.vector_load %arg6[%get3A_213, %get3A_214, %get3A_215] {strides = array<i32>} : memref<4x104x64xf32, #tpu.memory_space<vmem>>, vector<1x1x16xf32>,
        %get3A_217 = vector.shape_cast %get3A_216 : vector<1x1x16xf32> to vector<16xf32>
        %add3A_218 = arith.addf %scan3A_187, %get3A_217 : vector<16xf32>
        %add3A_219 = arith.constant 0 : i32
        %add3A_220 = arith.addi %add3A_192, %add3A_219 : i32
        %get3A_221 = arith.constant 1 : i32
        %get3A_222 = arith.index_cast %get3A_221 : i32 to index
        %get3A_223 = arith.index_cast %add3A_220 : i32 to index
        %get3A_224 = arith.constant 48 : index
        %get3A_225 = tpu.vector_load %arg6[%get3A_222, %get3A_223, %get3A_224] {strides = array<i32>} : memref<4x104x64xf32, #tpu.memory_space<vmem>>, vector<1x1x16xf32>,
        %get3A_226 = vector.shape_cast %get3A_225 : vector<1x1x16xf32> to vector<16xf32>
        %add3A_227 = arith.addf %scan3A_188, %get3A_226 : vector<16xf32>
        %add3A_228 = arith.constant 1 : i32
        %add3A_229 = arith.addi %add3A_192, %add3A_228 : i32
        %get3A_230 = arith.constant 1 : i32
        %get3A_231 = arith.index_cast %get3A_230 : i32 to index
        %get3A_232 = arith.index_cast %add3A_229 : i32 to index
        %get3A_233 = arith.constant 0 : index
        %get3A_234 = tpu.vector_load %arg6[%get3A_231, %get3A_232, %get3A_233] {strides = array<i32>} : memref<4x104x64xf32, #tpu.memory_space<vmem>>, vector<1x1x16xf32>,
        %get3A_235 = vector.shape_cast %get3A_234 : vector<1x1x16xf32> to vector<16xf32>
        %add3A_236 = arith.addf %add3A_200, %get3A_235 : vector<16xf32>
        %add3A_237 = arith.constant 1 : i32
        %add3A_238 = arith.addi %add3A_192, %add3A_237 : i32
        %get3A_239 = arith.constant 1 : i32
        %get3A_240 = arith.index_cast %get3A_239 : i32 to index
        %get3A_241 = arith.index_cast %add3A_238 : i32 to index
        %get3A_242 = arith.constant 16 : index
        %get3A_243 = tpu.vector_load %arg6[%get3A_240, %get3A_241, %get3A_242] {strides = array<i32>} : memref<4x104x64xf32, #tpu.memory_space<vmem>>, vector<1x1x16xf32>,
        %get3A_244 = vector.shape_cast %get3A_243 : vector<1x1x16xf32> to vector<16xf32>
        %add3A_245 = arith.addf %add3A_209, %get3A_244 : vector<16xf32>
        %add3A_246 = arith.constant 1 : i32
        %add3A_247 = arith.addi %add3A_192, %add3A_246 : i32
        %get3A_248 = arith.constant 1 : i32
        %get3A_249 = arith.index_cast %get3A_248 : i32 to index
        %get3A_250 = arith.index_cast %add3A_247 : i32 to index
        %get3A_251 = arith.constant 32 : index
        %get3A_252 = tpu.vector_load %arg6[%get3A_249, %get3A_250, %get3A_251] {strides = array<i32>} : memref<4x104x64xf32, #tpu.memory_space<vmem>>, vector<1x1x16xf32>,
        %get3A_253 = vector.shape_cast %get3A_252 : vector<1x1x16xf32> to vector<16xf32>
        %add3A_254 = arith.addf %add3A_218, %get3A_253 : vector<16xf32>
        %add3A_255 = arith.constant 1 : i32
        %add3A_256 = arith.addi %add3A_192, %add3A_255 : i32
        %get3A_257 = arith.constant 1 : i32
        %get3A_258 = arith.index_cast %get3A_257 : i32 to index
        %get3A_259 = arith.index_cast %add3A_256 : i32 to index
        %get3A_260 = arith.constant 48 : index
        %get3A_261 = tpu.vector_load %arg6[%get3A_258, %get3A_259, %get3A_260] {strides = array<i32>} : memref<4x104x64xf32, #tpu.memory_space<vmem>>, vector<1x1x16xf32>,
        %get3A_262 = vector.shape_cast %get3A_261 : vector<1x1x16xf32> to vector<16xf32>
        %add3A_263 = arith.addf %add3A_227, %get3A_262 : vector<16xf32>
        %add3A_264 = arith.constant 2 : i32
        %add3A_265 = arith.addi %add3A_192, %add3A_264 : i32
        %get3A_266 = arith.constant 1 : i32
        %get3A_267 = arith.index_cast %get3A_266 : i32 to index
        %get3A_268 = arith.index_cast %add3A_265 : i32 to index
        %get3A_269 = arith.constant 0 : index
        %get3A_270 = tpu.vector_load %arg6[%get3A_267, %get3A_268, %get3A_269] {strides = array<i32>} : memref<4x104x64xf32, #tpu.memory_space<vmem>>, vector<1x1x16xf32>,
        %get3A_271 = vector.shape_cast %get3A_270 : vector<1x1x16xf32> to vector<16xf32>
        %add3A_272 = arith.addf %add3A_236, %get3A_271 : vector<16xf32>
        %add3A_273 = arith.constant 2 : i32
        %add3A_274 = arith.addi %add3A_192, %add3A_273 : i32
        %get3A_275 = arith.constant 1 : i32
        %get3A_276 = arith.index_cast %get3A_275 : i32 to index
        %get3A_277 = arith.index_cast %add3A_274 : i32 to index
        %get3A_278 = arith.constant 16 : index
        %get3A_279 = tpu.vector_load %arg6[%get3A_276, %get3A_277, %get3A_278] {strides = array<i32>} : memref<4x104x64xf32, #tpu.memory_space<vmem>>, vector<1x1x16xf32>,
        %get3A_280 = vector.shape_cast %get3A_279 : vector<1x1x16xf32> to vector<16xf32>
        %add3A_281 = arith.addf %add3A_245, %get3A_280 : vector<16xf32>
        %add3A_282 = arith.constant 2 : i32
        %add3A_283 = arith.addi %add3A_192, %add3A_282 : i32
        %get3A_284 = arith.constant 1 : i32
        %get3A_285 = arith.index_cast %get3A_284 : i32 to index
        %get3A_286 = arith.index_cast %add3A_283 : i32 to index
        %get3A_287 = arith.constant 32 : index
        %get3A_288 = tpu.vector_load %arg6[%get3A_285, %get3A_286, %get3A_287] {strides = array<i32>} : memref<4x104x64xf32, #tpu.memory_space<vmem>>, vector<1x1x16xf32>,
        %get3A_289 = vector.shape_cast %get3A_288 : vector<1x1x16xf32> to vector<16xf32>
        %add3A_290 = arith.addf %add3A_254, %get3A_289 : vector<16xf32>
        %add3A_291 = arith.constant 2 : i32
        %add3A_292 = arith.addi %add3A_192, %add3A_291 : i32
        %get3A_293 = arith.constant 1 : i32
        %get3A_294 = arith.index_cast %get3A_293 : i32 to index
        %get3A_295 = arith.index_cast %add3A_292 : i32 to index
        %get3A_296 = arith.constant 48 : index
        %get3A_297 = tpu.vector_load %arg6[%get3A_294, %get3A_295, %get3A_296] {strides = array<i32>} : memref<4x104x64xf32, #tpu.memory_space<vmem>>, vector<1x1x16xf32>,
        %get3A_298 = vector.shape_cast %get3A_297 : vector<1x1x16xf32> to vector<16xf32>
        %add3A_299 = arith.addf %add3A_263, %get3A_298 : vector<16xf32>
        %add3A_300 = arith.constant 3 : i32
        %add3A_301 = arith.addi %add3A_192, %add3A_300 : i32
        %get3A_302 = arith.constant 1 : i32
        %get3A_303 = arith.index_cast %get3A_302 : i32 to index
        %get3A_304 = arith.index_cast %add3A_301 : i32 to index
        %get3A_305 = arith.constant 0 : index
        %get3A_306 = tpu.vector_load %arg6[%get3A_303, %get3A_304, %get3A_305] {strides = array<i32>} : memref<4x104x64xf32, #tpu.memory_space<vmem>>, vector<1x1x16xf32>,
        %get3A_307 = vector.shape_cast %get3A_306 : vector<1x1x16xf32> to vector<16xf32>
        %add3A_308 = arith.addf %add3A_272, %get3A_307 : vector<16xf32>
        %add3A_309 = arith.constant 3 : i32
        %add3A_310 = arith.addi %add3A_192, %add3A_309 : i32
        %get3A_311 = arith.constant 1 : i32
        %get3A_312 = arith.index_cast %get3A_311 : i32 to index
        %get3A_313 = arith.index_cast %add3A_310 : i32 to index
        %get3A_314 = arith.constant 16 : index
        %get3A_315 = tpu.vector_load %arg6[%get3A_312, %get3A_313, %get3A_314] {strides = array<i32>} : memref<4x104x64xf32, #tpu.memory_space<vmem>>, vector<1x1x16xf32>,
        %get3A_316 = vector.shape_cast %get3A_315 : vector<1x1x16xf32> to vector<16xf32>
        %add3A_317 = arith.addf %add3A_281, %get3A_316 : vector<16xf32>
        %add3A_318 = arith.constant 3 : i32
        %add3A_319 = arith.addi %add3A_192, %add3A_318 : i32
        %get3A_320 = arith.constant 1 : i32
        %get3A_321 = arith.index_cast %get3A_320 : i32 to index
        %get3A_322 = arith.index_cast %add3A_319 : i32 to index
        %get3A_323 = arith.constant 32 : index
        %get3A_324 = tpu.vector_load %arg6[%get3A_321, %get3A_322, %get3A_323] {strides = array<i32>} : memref<4x104x64xf32, #tpu.memory_space<vmem>>, vector<1x1x16xf32>,
        %get3A_325 = vector.shape_cast %get3A_324 : vector<1x1x16xf32> to vector<16xf32>
        %add3A_326 = arith.addf %add3A_290, %get3A_325 : vector<16xf32>
        %add3A_327 = arith.constant 3 : i32
        %add3A_328 = arith.addi %add3A_192, %add3A_327 : i32
        %get3A_329 = arith.constant 1 : i32
        %get3A_330 = arith.index_cast %get3A_329 : i32 to index
        %get3A_331 = arith.index_cast %add3A_328 : i32 to index
        %get3A_332 = arith.constant 48 : index
        %get3A_333 = tpu.vector_load %arg6[%get3A_330, %get3A_331, %get3A_332] {strides = array<i32>} : memref<4x104x64xf32, #tpu.memory_space<vmem>>, vector<1x1x16xf32>,
        %get3A_334 = vector.shape_cast %get3A_333 : vector<1x1x16xf32> to vector<16xf32>
        %add3A_335 = arith.addf %add3A_299, %get3A_334 : vector<16xf32>
        %add3A_336 = arith.constant 4 : i32
        %add3A_337 = arith.addi %add3A_192, %add3A_336 : i32
        %get3A_338 = arith.constant 1 : i32
        %get3A_339 = arith.index_cast %get3A_338 : i32 to index
        %get3A_340 = arith.index_cast %add3A_337 : i32 to index
        %get3A_341 = arith.constant 0 : index
        %get3A_342 = tpu.vector_load %arg6[%get3A_339, %get3A_340, %get3A_341] {strides = array<i32>} : memref<4x104x64xf32, #tpu.memory_space<vmem>>, vector<1x1x16xf32>,
        %get3A_343 = vector.shape_cast %get3A_342 : vector<1x1x16xf32> to vector<16xf32>
        %add3A_344 = arith.addf %add3A_308, %get3A_343 : vector<16xf32>
        %add3A_345 = arith.constant 4 : i32
        %add3A_346 = arith.addi %add3A_192, %add3A_345 : i32
        %get3A_347 = arith.constant 1 : i32
        %get3A_348 = arith.index_cast %get3A_347 : i32 to index
        %get3A_349 = arith.index_cast %add3A_346 : i32 to index
        %get3A_350 = arith.constant 16 : index
        %get3A_351 = tpu.vector_load %arg6[%get3A_348, %get3A_349, %get3A_350] {strides = array<i32>} : memref<4x104x64xf32, #tpu.memory_space<vmem>>, vector<1x1x16xf32>,
        %get3A_352 = vector.shape_cast %get3A_351 : vector<1x1x16xf32> to vector<16xf32>
        %add3A_353 = arith.addf %add3A_317, %get3A_352 : vector<16xf32>
        %add3A_354 = arith.constant 4 : i32
        %add3A_355 = arith.addi %add3A_192, %add3A_354 : i32
        %get3A_356 = arith.constant 1 : i32
        %get3A_357 = arith.index_cast %get3A_356 : i32 to index
        %get3A_358 = arith.index_cast %add3A_355 : i32 to index
        %get3A_359 = arith.constant 32 : index
        %get3A_360 = tpu.vector_load %arg6[%get3A_357, %get3A_358, %get3A_359] {strides = array<i32>} : memref<4x104x64xf32, #tpu.memory_space<vmem>>, vector<1x1x16xf32>,
        %get3A_361 = vector.shape_cast %get3A_360 : vector<1x1x16xf32> to vector<16xf32>
        %add3A_362 = arith.addf %add3A_326, %get3A_361 : vector<16xf32>
        %add3A_363 = arith.constant 4 : i32
        %add3A_364 = arith.addi %add3A_192, %add3A_363 : i32
        %get3A_365 = arith.constant 1 : i32
        %get3A_366 = arith.index_cast %get3A_365 : i32 to index
        %get3A_367 = arith.index_cast %add3A_364 : i32 to index
        %get3A_368 = arith.constant 48 : index
        %get3A_369 = tpu.vector_load %arg6[%get3A_366, %get3A_367, %get3A_368] {strides = array<i32>} : memref<4x104x64xf32, #tpu.memory_space<vmem>>, vector<1x1x16xf32>,
        %get3A_370 = vector.shape_cast %get3A_369 : vector<1x1x16xf32> to vector<16xf32>
        %add3A_371 = arith.addf %add3A_335, %get3A_370 : vector<16xf32>
        %add3A_372 = arith.constant 5 : i32
        %add3A_373 = arith.addi %add3A_192, %add3A_372 : i32
        %get3A_374 = arith.constant 1 : i32
        %get3A_375 = arith.index_cast %get3A_374 : i32 to index
        %get3A_376 = arith.index_cast %add3A_373 : i32 to index
        %get3A_377 = arith.constant 0 : index
        %get3A_378 = tpu.vector_load %arg6[%get3A_375, %get3A_376, %get3A_377] {strides = array<i32>} : memref<4x104x64xf32, #tpu.memory_space<vmem>>, vector<1x1x16xf32>,
        %get3A_379 = vector.shape_cast %get3A_378 : vector<1x1x16xf32> to vector<16xf32>
        %add3A_380 = arith.addf %add3A_344, %get3A_379 : vector<16xf32>
        %add3A_381 = arith.constant 5 : i32
        %add3A_382 = arith.addi %add3A_192, %add3A_381 : i32
        %get3A_383 = arith.constant 1 : i32
        %get3A_384 = arith.index_cast %get3A_383 : i32 to index
        %get3A_385 = arith.index_cast %add3A_382 : i32 to index
        %get3A_386 = arith.constant 16 : index
        %get3A_387 = tpu.vector_load %arg6[%get3A_384, %get3A_385, %get3A_386] {strides = array<i32>} : memref<4x104x64xf32, #tpu.memory_space<vmem>>, vector<1x1x16xf32>,
        %get3A_388 = vector.shape_cast %get3A_387 : vector<1x1x16xf32> to vector<16xf32>
        %add3A_389 = arith.addf %add3A_353, %get3A_388 : vector<16xf32>
        %add3A_390 = arith.constant 5 : i32
        %add3A_391 = arith.addi %add3A_192, %add3A_390 : i32
        %get3A_392 = arith.constant 1 : i32
        %get3A_393 = arith.index_cast %get3A_392 : i32 to index
        %get3A_394 = arith.index_cast %add3A_391 : i32 to index
        %get3A_395 = arith.constant 32 : index
        %get3A_396 = tpu.vector_load %arg6[%get3A_393, %get3A_394, %get3A_395] {strides = array<i32>} : memref<4x104x64xf32, #tpu.memory_space<vmem>>, vector<1x1x16xf32>,
        %get3A_397 = vector.shape_cast %get3A_396 : vector<1x1x16xf32> to vector<16xf32>
        %add3A_398 = arith.addf %add3A_362, %get3A_397 : vector<16xf32>
        %add3A_399 = arith.constant 5 : i32
        %add3A_400 = arith.addi %add3A_192, %add3A_399 : i32
        %get3A_401 = arith.constant 1 : i32
        %get3A_402 = arith.index_cast %get3A_401 : i32 to index
        %get3A_403 = arith.index_cast %add3A_400 : i32 to index
        %get3A_404 = arith.constant 48 : index
        %get3A_405 = tpu.vector_load %arg6[%get3A_402, %get3A_403, %get3A_404] {strides = array<i32>} : memref<4x104x64xf32, #tpu.memory_space<vmem>>, vector<1x1x16xf32>,
        %get3A_406 = vector.shape_cast %get3A_405 : vector<1x1x16xf32> to vector<16xf32>
        %add3A_407 = arith.addf %add3A_371, %get3A_406 : vector<16xf32>
        %add3A_408 = arith.constant 6 : i32
        %add3A_409 = arith.addi %add3A_192, %add3A_408 : i32
        %get3A_410 = arith.constant 1 : i32
        %get3A_411 = arith.index_cast %get3A_410 : i32 to index
        %get3A_412 = arith.index_cast %add3A_409 : i32 to index
        %get3A_413 = arith.constant 0 : index
        %get3A_414 = tpu.vector_load %arg6[%get3A_411, %get3A_412, %get3A_413] {strides = array<i32>} : memref<4x104x64xf32, #tpu.memory_space<vmem>>, vector<1x1x16xf32>,
        %get3A_415 = vector.shape_cast %get3A_414 : vector<1x1x16xf32> to vector<16xf32>
        %add3A_416 = arith.addf %add3A_380, %get3A_415 : vector<16xf32>
        %add3A_417 = arith.constant 6 : i32
        %add3A_418 = arith.addi %add3A_192, %add3A_417 : i32
        %get3A_419 = arith.constant 1 : i32
        %get3A_420 = arith.index_cast %get3A_419 : i32 to index
        %get3A_421 = arith.index_cast %add3A_418 : i32 to index
        %get3A_422 = arith.constant 16 : index
        %get3A_423 = tpu.vector_load %arg6[%get3A_420, %get3A_421, %get3A_422] {strides = array<i32>} : memref<4x104x64xf32, #tpu.memory_space<vmem>>, vector<1x1x16xf32>,
        %get3A_424 = vector.shape_cast %get3A_423 : vector<1x1x16xf32> to vector<16xf32>
        %add3A_425 = arith.addf %add3A_389, %get3A_424 : vector<16xf32>
        %add3A_426 = arith.constant 6 : i32
        %add3A_427 = arith.addi %add3A_192, %add3A_426 : i32
        %get3A_428 = arith.constant 1 : i32
        %get3A_429 = arith.index_cast %get3A_428 : i32 to index
        %get3A_430 = arith.index_cast %add3A_427 : i32 to index
        %get3A_431 = arith.constant 32 : index
        %get3A_432 = tpu.vector_load %arg6[%get3A_429, %get3A_430, %get3A_431] {strides = array<i32>} : memref<4x104x64xf32, #tpu.memory_space<vmem>>, vector<1x1x16xf32>,
        %get3A_433 = vector.shape_cast %get3A_432 : vector<1x1x16xf32> to vector<16xf32>
        %add3A_434 = arith.addf %add3A_398, %get3A_433 : vector<16xf32>
        %add3A_435 = arith.constant 6 : i32
        %add3A_436 = arith.addi %add3A_192, %add3A_435 : i32
        %get3A_437 = arith.constant 1 : i32
        %get3A_438 = arith.index_cast %get3A_437 : i32 to index
        %get3A_439 = arith.index_cast %add3A_436 : i32 to index
        %get3A_440 = arith.constant 48 : index
        %get3A_441 = tpu.vector_load %arg6[%get3A_438, %get3A_439, %get3A_440] {strides = array<i32>} : memref<4x104x64xf32, #tpu.memory_space<vmem>>, vector<1x1x16xf32>,
        %get3A_442 = vector.shape_cast %get3A_441 : vector<1x1x16xf32> to vector<16xf32>
        %add3A_443 = arith.addf %add3A_407, %get3A_442 : vector<16xf32>
        %add3A_444 = arith.constant 7 : i32
        %add3A_445 = arith.addi %add3A_192, %add3A_444 : i32
        %get3A_446 = arith.constant 1 : i32
        %get3A_447 = arith.index_cast %get3A_446 : i32 to index
        %get3A_448 = arith.index_cast %add3A_445 : i32 to index
        %get3A_449 = arith.constant 0 : index
        %get3A_450 = tpu.vector_load %arg6[%get3A_447, %get3A_448, %get3A_449] {strides = array<i32>} : memref<4x104x64xf32, #tpu.memory_space<vmem>>, vector<1x1x16xf32>,
        %get3A_451 = vector.shape_cast %get3A_450 : vector<1x1x16xf32> to vector<16xf32>
        %add3A_452 = arith.addf %add3A_416, %get3A_451 : vector<16xf32>
        %add3A_453 = arith.constant 7 : i32
        %add3A_454 = arith.addi %add3A_192, %add3A_453 : i32
        %get3A_455 = arith.constant 1 : i32
        %get3A_456 = arith.index_cast %get3A_455 : i32 to index
        %get3A_457 = arith.index_cast %add3A_454 : i32 to index
        %get3A_458 = arith.constant 16 : index
        %get3A_459 = tpu.vector_load %arg6[%get3A_456, %get3A_457, %get3A_458] {strides = array<i32>} : memref<4x104x64xf32, #tpu.memory_space<vmem>>, vector<1x1x16xf32>,
        %get3A_460 = vector.shape_cast %get3A_459 : vector<1x1x16xf32> to vector<16xf32>
        %add3A_461 = arith.addf %add3A_425, %get3A_460 : vector<16xf32>
        %add3A_462 = arith.constant 7 : i32
        %add3A_463 = arith.addi %add3A_192, %add3A_462 : i32
        %get3A_464 = arith.constant 1 : i32
        %get3A_465 = arith.index_cast %get3A_464 : i32 to index
        %get3A_466 = arith.index_cast %add3A_463 : i32 to index
        %get3A_467 = arith.constant 32 : index
        %get3A_468 = tpu.vector_load %arg6[%get3A_465, %get3A_466, %get3A_467] {strides = array<i32>} : memref<4x104x64xf32, #tpu.memory_space<vmem>>, vector<1x1x16xf32>,
        %get3A_469 = vector.shape_cast %get3A_468 : vector<1x1x16xf32> to vector<16xf32>
        %add3A_470 = arith.addf %add3A_434, %get3A_469 : vector<16xf32>
        %add3A_471 = arith.constant 7 : i32
        %add3A_472 = arith.addi %add3A_192, %add3A_471 : i32
        %get3A_473 = arith.constant 1 : i32
        %get3A_474 = arith.index_cast %get3A_473 : i32 to index
        %get3A_475 = arith.index_cast %add3A_472 : i32 to index
        %get3A_476 = arith.constant 48 : index
        %get3A_477 = tpu.vector_load %arg6[%get3A_474, %get3A_475, %get3A_476] {strides = array<i32>} : memref<4x104x64xf32, #tpu.memory_space<vmem>>, vector<1x1x16xf32>,
        %get3A_478 = vector.shape_cast %get3A_477 : vector<1x1x16xf32> to vector<16xf32>
        %add3A_479 = arith.addf %add3A_443, %get3A_478 : vector<16xf32>
        scf.yield %add3A_452, %add3A_461, %add3A_470, %add3A_479 : vector<16xf32>, vector<16xf32>, vector<16xf32>, vector<16xf32>
      }
      %scan3A_95 = arith.constant 12 : i32
      %add3A_96 = arith.constant 2 : i32
      %add3A_97 = arith.addi %mul3A_60, %add3A_96 : i32
      %lt3A = arith.constant 128 : i32
      %lt3A_98 = arith.cmpi slt, %add3A_97, %lt3A : i32
      %convert_element_type3A = arith.extui %lt3A_98 : i1 to i32
      %cond3A = arith.constant 0 : i32
      %cond3A_99 = arith.cmpi ne, %convert_element_type3A, %cond3A : i32
      scf.if %cond3A_99 {
        %add3A_184 = arith.constant 2 : i32
        %add3A_185 = arith.addi %mul3A_60, %add3A_184 : i32
        %dma_start3A_186 = arith.constant 0 : i32
        %dma_start3A_187 = arith.constant 0 : i32
        %dma_start3A_188 = arith.constant 0 : i32
        %dma_start3A_189 = tpu.memref_slice %arg6[%dma_start3A_186, %dma_start3A_187, %dma_start3A_188] : memref<4x104x64xf32, #tpu.memory_space<vmem>> -> memref<1x104x64xf32, #tpu.memory_space<vmem>>
        %dma_start3A_190 = tpu.memref_squeeze %dma_start3A_189 : memref<1x104x64xf32, #tpu.memory_space<vmem>> -> memref<104x64xf32, #tpu.memory_space<vmem>>
        %dma_start3A_191 = arith.constant 0 : i32
        %dma_start3A_192 = tpu.memref_slice %arg5[%add3A_185, %dma_start3A_191] : memref<128x200xi32, #tpu.memory_space<vmem>> -> memref<1x104xi32, #tpu.memory_space<vmem>>
        %dma_start3A_193 = tpu.memref_squeeze %dma_start3A_192 : memref<1x104xi32, #tpu.memory_space<vmem>> -> memref<104xi32, #tpu.memory_space<vmem>>
        %dma_start3A_194 = arith.constant 0 : i32
        %dma_start3A_195 = arith.constant 0 : i32
        %dma_start3A_196 = tpu.memref_slice %arg3[%dma_start3A_194, %dma_start3A_195] : memref<1000000x64xf32, #tpu.memory_space<hbm>> -> memref<1000000x64xf32, #tpu.memory_space<hbm>>
        tpu.enqueue_indirect_dma source(%dma_start3A_196 : memref<1000000x64xf32, #tpu.memory_space<hbm>>) target(%dma_start3A_190 : memref<104x64xf32, #tpu.memory_space<vmem>>) offsets(%dma_start3A_193 : memref<104xi32, #tpu.memory_space<vmem>>) semaphore(%arg8 : memref<!tpu.dma_semaphore, #tpu.memory_space<semaphore_mem>>)
        %dma_start3A_197 = arith.constant 1 : i32
        %dma_start3A_198 = arith.constant 0 : i32
        %dma_start3A_199 = arith.constant 0 : i32
        %dma_start3A_200 = tpu.memref_slice %arg6[%dma_start3A_197, %dma_start3A_198, %dma_start3A_199] : memref<4x104x64xf32, #tpu.memory_space<vmem>> -> memref<1x96x64xf32, #tpu.memory_space<vmem>>
        %dma_start3A_201 = tpu.memref_squeeze %dma_start3A_200 : memref<1x96x64xf32, #tpu.memory_space<vmem>> -> memref<96x64xf32, #tpu.memory_space<vmem>>
        %dma_start3A_202 = arith.constant 104 : i32
        %dma_start3A_203 = tpu.memref_slice %arg5[%add3A_185, %dma_start3A_202] : memref<128x200xi32, #tpu.memory_space<vmem>> -> memref<1x96xi32, #tpu.memory_space<vmem>>
        %dma_start3A_204 = tpu.memref_squeeze %dma_start3A_203 : memref<1x96xi32, #tpu.memory_space<vmem>> -> memref<96xi32, #tpu.memory_space<vmem>>
        %dma_start3A_205 = arith.constant 0 : i32
        %dma_start3A_206 = arith.constant 0 : i32
        %dma_start3A_207 = tpu.memref_slice %arg3[%dma_start3A_205, %dma_start3A_206] : memref<1000000x64xf32, #tpu.memory_space<hbm>> -> memref<1000000x64xf32, #tpu.memory_space<hbm>>
        tpu.enqueue_indirect_dma source(%dma_start3A_207 : memref<1000000x64xf32, #tpu.memory_space<hbm>>) target(%dma_start3A_201 : memref<96x64xf32, #tpu.memory_space<vmem>>) offsets(%dma_start3A_204 : memref<96xi32, #tpu.memory_space<vmem>>) semaphore(%arg9 : memref<!tpu.dma_semaphore, #tpu.memory_space<semaphore_mem>>)
      } else {
      }
      %swap3A = arith.index_cast %mul3A_60 : i32 to index
      %swap3A_100 = arith.constant 0 : index
      %swap3A_101 = tpu.vector_load %arg7[%swap3A, %swap3A_100] {strides = array<i32>} : memref<128x64xf32, #tpu.memory_space<vmem>>, vector<1x16xf32>,
      %swap3A_102 = vector.shape_cast %swap3A_101 : vector<1x16xf32> to vector<16xf32>
      %swap3A_103 = vector.shape_cast %scan3A_94#0 : vector<16xf32> to vector<1x16xf32>
      tpu.vector_store %arg7[%swap3A, %swap3A_100], %swap3A_103 {strides = array<i32>} : memref<128x64xf32, #tpu.memory_space<vmem>>, vector<1x16xf32>,
      %swap3A_104 = arith.index_cast %mul3A_60 : i32 to index
      %swap3A_105 = arith.constant 16 : index
      %swap3A_106 = tpu.vector_load %arg7[%swap3A_104, %swap3A_105] {strides = array<i32>} : memref<128x64xf32, #tpu.memory_space<vmem>>, vector<1x16xf32>,
      %swap3A_107 = vector.shape_cast %swap3A_106 : vector<1x16xf32> to vector<16xf32>
      %swap3A_108 = vector.shape_cast %scan3A_94#1 : vector<16xf32> to vector<1x16xf32>
      tpu.vector_store %arg7[%swap3A_104, %swap3A_105], %swap3A_108 {strides = array<i32>} : memref<128x64xf32, #tpu.memory_space<vmem>>, vector<1x16xf32>,
      %swap3A_109 = arith.index_cast %mul3A_60 : i32 to index
      %swap3A_110 = arith.constant 32 : index
      %swap3A_111 = tpu.vector_load %arg7[%swap3A_109, %swap3A_110] {strides = array<i32>} : memref<128x64xf32, #tpu.memory_space<vmem>>, vector<1x16xf32>,
      %swap3A_112 = vector.shape_cast %swap3A_111 : vector<1x16xf32> to vector<16xf32>
      %swap3A_113 = vector.shape_cast %scan3A_94#2 : vector<16xf32> to vector<1x16xf32>
      tpu.vector_store %arg7[%swap3A_109, %swap3A_110], %swap3A_113 {strides = array<i32>} : memref<128x64xf32, #tpu.memory_space<vmem>>, vector<1x16xf32>,
      %swap3A_114 = arith.index_cast %mul3A_60 : i32 to index
      %swap3A_115 = arith.constant 48 : index
      %swap3A_116 = tpu.vector_load %arg7[%swap3A_114, %swap3A_115] {strides = array<i32>} : memref<128x64xf32, #tpu.memory_space<vmem>>, vector<1x16xf32>,
      %swap3A_117 = vector.shape_cast %swap3A_116 : vector<1x16xf32> to vector<16xf32>
      %swap3A_118 = vector.shape_cast %scan3A_94#3 : vector<16xf32> to vector<1x16xf32>
      tpu.vector_store %arg7[%swap3A_114, %swap3A_115], %swap3A_118 {strides = array<i32>} : memref<128x64xf32, #tpu.memory_space<vmem>>, vector<1x16xf32>,
      %add3A_119 = arith.constant 1 : i32
      %add3A_120 = arith.addi %mul3A_60, %add3A_119 : i32
      %dma_wait3A_121 = arith.constant 0 : i32
      %dma_wait3A_122 = arith.constant 2 : i32
      %dma_wait3A_123 = arith.constant 0 : i32
      %dma_wait3A_124 = arith.constant 0 : i32
      %dma_wait3A_125 = tpu.memref_slice %arg6[%dma_wait3A_122, %dma_wait3A_123, %dma_wait3A_124] : memref<4x104x64xf32, #tpu.memory_space<vmem>> -> memref<1x104x64xf32, #tpu.memory_space<vmem>>
      %dma_wait3A_126 = tpu.memref_squeeze %dma_wait3A_125 : memref<1x104x64xf32, #tpu.memory_space<vmem>> -> memref<104x64xf32, #tpu.memory_space<vmem>>
      %dma_wait3A_127 = arith.constant 0 : i32
      %dma_wait3A_128 = tpu.memref_slice %arg5[%dma_wait3A_121, %dma_wait3A_127] : memref<128x200xi32, #tpu.memory_space<vmem>> -> memref<1x104xi32, #tpu.memory_space<vmem>>
      %dma_wait3A_129 = tpu.memref_squeeze %dma_wait3A_128 : memref<1x104xi32, #tpu.memory_space<vmem>> -> memref<104xi32, #tpu.memory_space<vmem>>
      %dma_wait3A_130 = arith.constant 0 : i32
      %dma_wait3A_131 = arith.constant 0 : i32
      %dma_wait3A_132 = tpu.memref_slice %arg3[%dma_wait3A_130, %dma_wait3A_131] : memref<1000000x64xf32, #tpu.memory_space<hbm>> -> memref<1000000x64xf32, #tpu.memory_space<hbm>>
      tpu.wait_indirect_dma semaphore(%arg10 : memref<!tpu.dma_semaphore, #tpu.memory_space<semaphore_mem>>) src(%dma_wait3A_132 : memref<1000000x64xf32, #tpu.memory_space<hbm>>) dst(%dma_wait3A_126 : memref<104x64xf32, #tpu.memory_space<vmem>>)
      %dma_wait3A_133 = arith.constant 0 : i32
      %dma_wait3A_134 = arith.constant 3 : i32
      %dma_wait3A_135 = arith.constant 0 : i32
      %dma_wait3A_136 = arith.constant 0 : i32
      %dma_wait3A_137 = tpu.memref_slice %arg6[%dma_wait3A_134, %dma_wait3A_135, %dma_wait3A_136] : memref<4x104x64xf32, #tpu.memory_space<vmem>> -> memref<1x96x64xf32, #tpu.memory_space<vmem>>
      %dma_wait3A_138 = tpu.memref_squeeze %dma_wait3A_137 : memref<1x96x64xf32, #tpu.memory_space<vmem>> -> memref<96x64xf32, #tpu.memory_space<vmem>>
      %dma_wait3A_139 = arith.constant 104 : i32
      %dma_wait3A_140 = tpu.memref_slice %arg5[%dma_wait3A_133, %dma_wait3A_139] : memref<128x200xi32, #tpu.memory_space<vmem>> -> memref<1x96xi32, #tpu.memory_space<vmem>>
      %dma_wait3A_141 = tpu.memref_squeeze %dma_wait3A_140 : memref<1x96xi32, #tpu.memory_space<vmem>> -> memref<96xi32, #tpu.memory_space<vmem>>
      %dma_wait3A_142 = arith.constant 0 : i32
      %dma_wait3A_143 = arith.constant 0 : i32
      %dma_wait3A_144 = tpu.memref_slice %arg3[%dma_wait3A_142, %dma_wait3A_143] : memref<1000000x64xf32, #tpu.memory_space<hbm>> -> memref<1000000x64xf32, #tpu.memory_space<hbm>>
      tpu.wait_indirect_dma semaphore(%arg11 : memref<!tpu.dma_semaphore, #tpu.memory_space<semaphore_mem>>) src(%dma_wait3A_144 : memref<1000000x64xf32, #tpu.memory_space<hbm>>) dst(%dma_wait3A_138 : memref<96x64xf32, #tpu.memory_space<vmem>>)
      %scan3A_145 = arith.constant 0 : i32
      %scan3A_146 = arith.constant 13 : i32
      %scan3A_147 = arith.addi %scan3A_145, %scan3A_146 : i32
      %scan3A_148 = arith.constant 1 : i32
      %scan3A_149:4 = scf.for %scan3A_184 = %scan3A_145 to %scan3A_147 step %scan3A_148 iter_args(%scan3A_185 = %broadcast_in_dim3A_3, %scan3A_186 = %broadcast_in_dim3A_3, %scan3A_187 = %broadcast_in_dim3A_3, %scan3A_188 = %broadcast_in_dim3A_3) -> (vector<16xf32>, vector<16xf32>, vector<16xf32>, vector<16xf32>)  : i32 {
        %mul3A_189 = arith.constant 8 : i32
        %mul3A_190 = arith.muli %scan3A_184, %mul3A_189 : i32
        %add3A_191 = arith.constant 0 : i32
        %add3A_192 = arith.addi %add3A_191, %mul3A_190 : i32
        %add3A_193 = arith.constant 0 : i32
        %add3A_194 = arith.addi %add3A_192, %add3A_193 : i32
        %get3A = arith.constant 2 : i32
        %get3A_195 = arith.index_cast %get3A : i32 to index
        %get3A_196 = arith.index_cast %add3A_194 : i32 to index
        %get3A_197 = arith.constant 0 : index
        %get3A_198 = tpu.vector_load %arg6[%get3A_195, %get3A_196, %get3A_197] {strides = array<i32>} : memref<4x104x64xf32, #tpu.memory_space<vmem>>, vector<1x1x16xf32>,
        %get3A_199 = vector.shape_cast %get3A_198 : vector<1x1x16xf32> to vector<16xf32>
        %add3A_200 = arith.addf %scan3A_185, %get3A_199 : vector<16xf32>
        %add3A_201 = arith.constant 0 : i32
        %add3A_202 = arith.addi %add3A_192, %add3A_201 : i32
        %get3A_203 = arith.constant 2 : i32
        %get3A_204 = arith.index_cast %get3A_203 : i32 to index
        %get3A_205 = arith.index_cast %add3A_202 : i32 to index
        %get3A_206 = arith.constant 16 : index
        %get3A_207 = tpu.vector_load %arg6[%get3A_204, %get3A_205, %get3A_206] {strides = array<i32>} : memref<4x104x64xf32, #tpu.memory_space<vmem>>, vector<1x1x16xf32>,
        %get3A_208 = vector.shape_cast %get3A_207 : vector<1x1x16xf32> to vector<16xf32>
        %add3A_209 = arith.addf %scan3A_186, %get3A_208 : vector<16xf32>
        %add3A_210 = arith.constant 0 : i32
        %add3A_211 = arith.addi %add3A_192, %add3A_210 : i32
        %get3A_212 = arith.constant 2 : i32
        %get3A_213 = arith.index_cast %get3A_212 : i32 to index
        %get3A_214 = arith.index_cast %add3A_211 : i32 to index
        %get3A_215 = arith.constant 32 : index
        %get3A_216 = tpu.vector_load %arg6[%get3A_213, %get3A_214, %get3A_215] {strides = array<i32>} : memref<4x104x64xf32, #tpu.memory_space<vmem>>, vector<1x1x16xf32>,
        %get3A_217 = vector.shape_cast %get3A_216 : vector<1x1x16xf32> to vector<16xf32>
        %add3A_218 = arith.addf %scan3A_187, %get3A_217 : vector<16xf32>
        %add3A_219 = arith.constant 0 : i32
        %add3A_220 = arith.addi %add3A_192, %add3A_219 : i32
        %get3A_221 = arith.constant 2 : i32
        %get3A_222 = arith.index_cast %get3A_221 : i32 to index
        %get3A_223 = arith.index_cast %add3A_220 : i32 to index
        %get3A_224 = arith.constant 48 : index
        %get3A_225 = tpu.vector_load %arg6[%get3A_222, %get3A_223, %get3A_224] {strides = array<i32>} : memref<4x104x64xf32, #tpu.memory_space<vmem>>, vector<1x1x16xf32>,
        %get3A_226 = vector.shape_cast %get3A_225 : vector<1x1x16xf32> to vector<16xf32>
        %add3A_227 = arith.addf %scan3A_188, %get3A_226 : vector<16xf32>
        %add3A_228 = arith.constant 1 : i32
        %add3A_229 = arith.addi %add3A_192, %add3A_228 : i32
        %get3A_230 = arith.constant 2 : i32
        %get3A_231 = arith.index_cast %get3A_230 : i32 to index
        %get3A_232 = arith.index_cast %add3A_229 : i32 to index
        %get3A_233 = arith.constant 0 : index
        %get3A_234 = tpu.vector_load %arg6[%get3A_231, %get3A_232, %get3A_233] {strides = array<i32>} : memref<4x104x64xf32, #tpu.memory_space<vmem>>, vector<1x1x16xf32>,
        %get3A_235 = vector.shape_cast %get3A_234 : vector<1x1x16xf32> to vector<16xf32>
        %add3A_236 = arith.addf %add3A_200, %get3A_235 : vector<16xf32>
        %add3A_237 = arith.constant 1 : i32
        %add3A_238 = arith.addi %add3A_192, %add3A_237 : i32
        %get3A_239 = arith.constant 2 : i32
        %get3A_240 = arith.index_cast %get3A_239 : i32 to index
        %get3A_241 = arith.index_cast %add3A_238 : i32 to index
        %get3A_242 = arith.constant 16 : index
        %get3A_243 = tpu.vector_load %arg6[%get3A_240, %get3A_241, %get3A_242] {strides = array<i32>} : memref<4x104x64xf32, #tpu.memory_space<vmem>>, vector<1x1x16xf32>,
        %get3A_244 = vector.shape_cast %get3A_243 : vector<1x1x16xf32> to vector<16xf32>
        %add3A_245 = arith.addf %add3A_209, %get3A_244 : vector<16xf32>
        %add3A_246 = arith.constant 1 : i32
        %add3A_247 = arith.addi %add3A_192, %add3A_246 : i32
        %get3A_248 = arith.constant 2 : i32
        %get3A_249 = arith.index_cast %get3A_248 : i32 to index
        %get3A_250 = arith.index_cast %add3A_247 : i32 to index
        %get3A_251 = arith.constant 32 : index
        %get3A_252 = tpu.vector_load %arg6[%get3A_249, %get3A_250, %get3A_251] {strides = array<i32>} : memref<4x104x64xf32, #tpu.memory_space<vmem>>, vector<1x1x16xf32>,
        %get3A_253 = vector.shape_cast %get3A_252 : vector<1x1x16xf32> to vector<16xf32>
        %add3A_254 = arith.addf %add3A_218, %get3A_253 : vector<16xf32>
        %add3A_255 = arith.constant 1 : i32
        %add3A_256 = arith.addi %add3A_192, %add3A_255 : i32
        %get3A_257 = arith.constant 2 : i32
        %get3A_258 = arith.index_cast %get3A_257 : i32 to index
        %get3A_259 = arith.index_cast %add3A_256 : i32 to index
        %get3A_260 = arith.constant 48 : index
        %get3A_261 = tpu.vector_load %arg6[%get3A_258, %get3A_259, %get3A_260] {strides = array<i32>} : memref<4x104x64xf32, #tpu.memory_space<vmem>>, vector<1x1x16xf32>,
        %get3A_262 = vector.shape_cast %get3A_261 : vector<1x1x16xf32> to vector<16xf32>
        %add3A_263 = arith.addf %add3A_227, %get3A_262 : vector<16xf32>
        %add3A_264 = arith.constant 2 : i32
        %add3A_265 = arith.addi %add3A_192, %add3A_264 : i32
        %get3A_266 = arith.constant 2 : i32
        %get3A_267 = arith.index_cast %get3A_266 : i32 to index
        %get3A_268 = arith.index_cast %add3A_265 : i32 to index
        %get3A_269 = arith.constant 0 : index
        %get3A_270 = tpu.vector_load %arg6[%get3A_267, %get3A_268, %get3A_269] {strides = array<i32>} : memref<4x104x64xf32, #tpu.memory_space<vmem>>, vector<1x1x16xf32>,
        %get3A_271 = vector.shape_cast %get3A_270 : vector<1x1x16xf32> to vector<16xf32>
        %add3A_272 = arith.addf %add3A_236, %get3A_271 : vector<16xf32>
        %add3A_273 = arith.constant 2 : i32
        %add3A_274 = arith.addi %add3A_192, %add3A_273 : i32
        %get3A_275 = arith.constant 2 : i32
        %get3A_276 = arith.index_cast %get3A_275 : i32 to index
        %get3A_277 = arith.index_cast %add3A_274 : i32 to index
        %get3A_278 = arith.constant 16 : index
        %get3A_279 = tpu.vector_load %arg6[%get3A_276, %get3A_277, %get3A_278] {strides = array<i32>} : memref<4x104x64xf32, #tpu.memory_space<vmem>>, vector<1x1x16xf32>,
        %get3A_280 = vector.shape_cast %get3A_279 : vector<1x1x16xf32> to vector<16xf32>
        %add3A_281 = arith.addf %add3A_245, %get3A_280 : vector<16xf32>
        %add3A_282 = arith.constant 2 : i32
        %add3A_283 = arith.addi %add3A_192, %add3A_282 : i32
        %get3A_284 = arith.constant 2 : i32
        %get3A_285 = arith.index_cast %get3A_284 : i32 to index
        %get3A_286 = arith.index_cast %add3A_283 : i32 to index
        %get3A_287 = arith.constant 32 : index
        %get3A_288 = tpu.vector_load %arg6[%get3A_285, %get3A_286, %get3A_287] {strides = array<i32>} : memref<4x104x64xf32, #tpu.memory_space<vmem>>, vector<1x1x16xf32>,
        %get3A_289 = vector.shape_cast %get3A_288 : vector<1x1x16xf32> to vector<16xf32>
        %add3A_290 = arith.addf %add3A_254, %get3A_289 : vector<16xf32>
        %add3A_291 = arith.constant 2 : i32
        %add3A_292 = arith.addi %add3A_192, %add3A_291 : i32
        %get3A_293 = arith.constant 2 : i32
        %get3A_294 = arith.index_cast %get3A_293 : i32 to index
        %get3A_295 = arith.index_cast %add3A_292 : i32 to index
        %get3A_296 = arith.constant 48 : index
        %get3A_297 = tpu.vector_load %arg6[%get3A_294, %get3A_295, %get3A_296] {strides = array<i32>} : memref<4x104x64xf32, #tpu.memory_space<vmem>>, vector<1x1x16xf32>,
        %get3A_298 = vector.shape_cast %get3A_297 : vector<1x1x16xf32> to vector<16xf32>
        %add3A_299 = arith.addf %add3A_263, %get3A_298 : vector<16xf32>
        %add3A_300 = arith.constant 3 : i32
        %add3A_301 = arith.addi %add3A_192, %add3A_300 : i32
        %get3A_302 = arith.constant 2 : i32
        %get3A_303 = arith.index_cast %get3A_302 : i32 to index
        %get3A_304 = arith.index_cast %add3A_301 : i32 to index
        %get3A_305 = arith.constant 0 : index
        %get3A_306 = tpu.vector_load %arg6[%get3A_303, %get3A_304, %get3A_305] {strides = array<i32>} : memref<4x104x64xf32, #tpu.memory_space<vmem>>, vector<1x1x16xf32>,
        %get3A_307 = vector.shape_cast %get3A_306 : vector<1x1x16xf32> to vector<16xf32>
        %add3A_308 = arith.addf %add3A_272, %get3A_307 : vector<16xf32>
        %add3A_309 = arith.constant 3 : i32
        %add3A_310 = arith.addi %add3A_192, %add3A_309 : i32
        %get3A_311 = arith.constant 2 : i32
        %get3A_312 = arith.index_cast %get3A_311 : i32 to index
        %get3A_313 = arith.index_cast %add3A_310 : i32 to index
        %get3A_314 = arith.constant 16 : index
        %get3A_315 = tpu.vector_load %arg6[%get3A_312, %get3A_313, %get3A_314] {strides = array<i32>} : memref<4x104x64xf32, #tpu.memory_space<vmem>>, vector<1x1x16xf32>,
        %get3A_316 = vector.shape_cast %get3A_315 : vector<1x1x16xf32> to vector<16xf32>
        %add3A_317 = arith.addf %add3A_281, %get3A_316 : vector<16xf32>
        %add3A_318 = arith.constant 3 : i32
        %add3A_319 = arith.addi %add3A_192, %add3A_318 : i32
        %get3A_320 = arith.constant 2 : i32
        %get3A_321 = arith.index_cast %get3A_320 : i32 to index
        %get3A_322 = arith.index_cast %add3A_319 : i32 to index
        %get3A_323 = arith.constant 32 : index
        %get3A_324 = tpu.vector_load %arg6[%get3A_321, %get3A_322, %get3A_323] {strides = array<i32>} : memref<4x104x64xf32, #tpu.memory_space<vmem>>, vector<1x1x16xf32>,
        %get3A_325 = vector.shape_cast %get3A_324 : vector<1x1x16xf32> to vector<16xf32>
        %add3A_326 = arith.addf %add3A_290, %get3A_325 : vector<16xf32>
        %add3A_327 = arith.constant 3 : i32
        %add3A_328 = arith.addi %add3A_192, %add3A_327 : i32
        %get3A_329 = arith.constant 2 : i32
        %get3A_330 = arith.index_cast %get3A_329 : i32 to index
        %get3A_331 = arith.index_cast %add3A_328 : i32 to index
        %get3A_332 = arith.constant 48 : index
        %get3A_333 = tpu.vector_load %arg6[%get3A_330, %get3A_331, %get3A_332] {strides = array<i32>} : memref<4x104x64xf32, #tpu.memory_space<vmem>>, vector<1x1x16xf32>,
        %get3A_334 = vector.shape_cast %get3A_333 : vector<1x1x16xf32> to vector<16xf32>
        %add3A_335 = arith.addf %add3A_299, %get3A_334 : vector<16xf32>
        %add3A_336 = arith.constant 4 : i32
        %add3A_337 = arith.addi %add3A_192, %add3A_336 : i32
        %get3A_338 = arith.constant 2 : i32
        %get3A_339 = arith.index_cast %get3A_338 : i32 to index
        %get3A_340 = arith.index_cast %add3A_337 : i32 to index
        %get3A_341 = arith.constant 0 : index
        %get3A_342 = tpu.vector_load %arg6[%get3A_339, %get3A_340, %get3A_341] {strides = array<i32>} : memref<4x104x64xf32, #tpu.memory_space<vmem>>, vector<1x1x16xf32>,
        %get3A_343 = vector.shape_cast %get3A_342 : vector<1x1x16xf32> to vector<16xf32>
        %add3A_344 = arith.addf %add3A_308, %get3A_343 : vector<16xf32>
        %add3A_345 = arith.constant 4 : i32
        %add3A_346 = arith.addi %add3A_192, %add3A_345 : i32
        %get3A_347 = arith.constant 2 : i32
        %get3A_348 = arith.index_cast %get3A_347 : i32 to index
        %get3A_349 = arith.index_cast %add3A_346 : i32 to index
        %get3A_350 = arith.constant 16 : index
        %get3A_351 = tpu.vector_load %arg6[%get3A_348, %get3A_349, %get3A_350] {strides = array<i32>} : memref<4x104x64xf32, #tpu.memory_space<vmem>>, vector<1x1x16xf32>,
        %get3A_352 = vector.shape_cast %get3A_351 : vector<1x1x16xf32> to vector<16xf32>
        %add3A_353 = arith.addf %add3A_317, %get3A_352 : vector<16xf32>
        %add3A_354 = arith.constant 4 : i32
        %add3A_355 = arith.addi %add3A_192, %add3A_354 : i32
        %get3A_356 = arith.constant 2 : i32
        %get3A_357 = arith.index_cast %get3A_356 : i32 to index
        %get3A_358 = arith.index_cast %add3A_355 : i32 to index
        %get3A_359 = arith.constant 32 : index
        %get3A_360 = tpu.vector_load %arg6[%get3A_357, %get3A_358, %get3A_359] {strides = array<i32>} : memref<4x104x64xf32, #tpu.memory_space<vmem>>, vector<1x1x16xf32>,
        %get3A_361 = vector.shape_cast %get3A_360 : vector<1x1x16xf32> to vector<16xf32>
        %add3A_362 = arith.addf %add3A_326, %get3A_361 : vector<16xf32>
        %add3A_363 = arith.constant 4 : i32
        %add3A_364 = arith.addi %add3A_192, %add3A_363 : i32
        %get3A_365 = arith.constant 2 : i32
        %get3A_366 = arith.index_cast %get3A_365 : i32 to index
        %get3A_367 = arith.index_cast %add3A_364 : i32 to index
        %get3A_368 = arith.constant 48 : index
        %get3A_369 = tpu.vector_load %arg6[%get3A_366, %get3A_367, %get3A_368] {strides = array<i32>} : memref<4x104x64xf32, #tpu.memory_space<vmem>>, vector<1x1x16xf32>,
        %get3A_370 = vector.shape_cast %get3A_369 : vector<1x1x16xf32> to vector<16xf32>
        %add3A_371 = arith.addf %add3A_335, %get3A_370 : vector<16xf32>
        %add3A_372 = arith.constant 5 : i32
        %add3A_373 = arith.addi %add3A_192, %add3A_372 : i32
        %get3A_374 = arith.constant 2 : i32
        %get3A_375 = arith.index_cast %get3A_374 : i32 to index
        %get3A_376 = arith.index_cast %add3A_373 : i32 to index
        %get3A_377 = arith.constant 0 : index
        %get3A_378 = tpu.vector_load %arg6[%get3A_375, %get3A_376, %get3A_377] {strides = array<i32>} : memref<4x104x64xf32, #tpu.memory_space<vmem>>, vector<1x1x16xf32>,
        %get3A_379 = vector.shape_cast %get3A_378 : vector<1x1x16xf32> to vector<16xf32>
        %add3A_380 = arith.addf %add3A_344, %get3A_379 : vector<16xf32>
        %add3A_381 = arith.constant 5 : i32
        %add3A_382 = arith.addi %add3A_192, %add3A_381 : i32
        %get3A_383 = arith.constant 2 : i32
        %get3A_384 = arith.index_cast %get3A_383 : i32 to index
        %get3A_385 = arith.index_cast %add3A_382 : i32 to index
        %get3A_386 = arith.constant 16 : index
        %get3A_387 = tpu.vector_load %arg6[%get3A_384, %get3A_385, %get3A_386] {strides = array<i32>} : memref<4x104x64xf32, #tpu.memory_space<vmem>>, vector<1x1x16xf32>,
        %get3A_388 = vector.shape_cast %get3A_387 : vector<1x1x16xf32> to vector<16xf32>
        %add3A_389 = arith.addf %add3A_353, %get3A_388 : vector<16xf32>
        %add3A_390 = arith.constant 5 : i32
        %add3A_391 = arith.addi %add3A_192, %add3A_390 : i32
        %get3A_392 = arith.constant 2 : i32
        %get3A_393 = arith.index_cast %get3A_392 : i32 to index
        %get3A_394 = arith.index_cast %add3A_391 : i32 to index
        %get3A_395 = arith.constant 32 : index
        %get3A_396 = tpu.vector_load %arg6[%get3A_393, %get3A_394, %get3A_395] {strides = array<i32>} : memref<4x104x64xf32, #tpu.memory_space<vmem>>, vector<1x1x16xf32>,
        %get3A_397 = vector.shape_cast %get3A_396 : vector<1x1x16xf32> to vector<16xf32>
        %add3A_398 = arith.addf %add3A_362, %get3A_397 : vector<16xf32>
        %add3A_399 = arith.constant 5 : i32
        %add3A_400 = arith.addi %add3A_192, %add3A_399 : i32
        %get3A_401 = arith.constant 2 : i32
        %get3A_402 = arith.index_cast %get3A_401 : i32 to index
        %get3A_403 = arith.index_cast %add3A_400 : i32 to index
        %get3A_404 = arith.constant 48 : index
        %get3A_405 = tpu.vector_load %arg6[%get3A_402, %get3A_403, %get3A_404] {strides = array<i32>} : memref<4x104x64xf32, #tpu.memory_space<vmem>>, vector<1x1x16xf32>,
        %get3A_406 = vector.shape_cast %get3A_405 : vector<1x1x16xf32> to vector<16xf32>
        %add3A_407 = arith.addf %add3A_371, %get3A_406 : vector<16xf32>
        %add3A_408 = arith.constant 6 : i32
        %add3A_409 = arith.addi %add3A_192, %add3A_408 : i32
        %get3A_410 = arith.constant 2 : i32
        %get3A_411 = arith.index_cast %get3A_410 : i32 to index
        %get3A_412 = arith.index_cast %add3A_409 : i32 to index
        %get3A_413 = arith.constant 0 : index
        %get3A_414 = tpu.vector_load %arg6[%get3A_411, %get3A_412, %get3A_413] {strides = array<i32>} : memref<4x104x64xf32, #tpu.memory_space<vmem>>, vector<1x1x16xf32>,
        %get3A_415 = vector.shape_cast %get3A_414 : vector<1x1x16xf32> to vector<16xf32>
        %add3A_416 = arith.addf %add3A_380, %get3A_415 : vector<16xf32>
        %add3A_417 = arith.constant 6 : i32
        %add3A_418 = arith.addi %add3A_192, %add3A_417 : i32
        %get3A_419 = arith.constant 2 : i32
        %get3A_420 = arith.index_cast %get3A_419 : i32 to index
        %get3A_421 = arith.index_cast %add3A_418 : i32 to index
        %get3A_422 = arith.constant 16 : index
        %get3A_423 = tpu.vector_load %arg6[%get3A_420, %get3A_421, %get3A_422] {strides = array<i32>} : memref<4x104x64xf32, #tpu.memory_space<vmem>>, vector<1x1x16xf32>,
        %get3A_424 = vector.shape_cast %get3A_423 : vector<1x1x16xf32> to vector<16xf32>
        %add3A_425 = arith.addf %add3A_389, %get3A_424 : vector<16xf32>
        %add3A_426 = arith.constant 6 : i32
        %add3A_427 = arith.addi %add3A_192, %add3A_426 : i32
        %get3A_428 = arith.constant 2 : i32
        %get3A_429 = arith.index_cast %get3A_428 : i32 to index
        %get3A_430 = arith.index_cast %add3A_427 : i32 to index
        %get3A_431 = arith.constant 32 : index
        %get3A_432 = tpu.vector_load %arg6[%get3A_429, %get3A_430, %get3A_431] {strides = array<i32>} : memref<4x104x64xf32, #tpu.memory_space<vmem>>, vector<1x1x16xf32>,
        %get3A_433 = vector.shape_cast %get3A_432 : vector<1x1x16xf32> to vector<16xf32>
        %add3A_434 = arith.addf %add3A_398, %get3A_433 : vector<16xf32>
        %add3A_435 = arith.constant 6 : i32
        %add3A_436 = arith.addi %add3A_192, %add3A_435 : i32
        %get3A_437 = arith.constant 2 : i32
        %get3A_438 = arith.index_cast %get3A_437 : i32 to index
        %get3A_439 = arith.index_cast %add3A_436 : i32 to index
        %get3A_440 = arith.constant 48 : index
        %get3A_441 = tpu.vector_load %arg6[%get3A_438, %get3A_439, %get3A_440] {strides = array<i32>} : memref<4x104x64xf32, #tpu.memory_space<vmem>>, vector<1x1x16xf32>,
        %get3A_442 = vector.shape_cast %get3A_441 : vector<1x1x16xf32> to vector<16xf32>
        %add3A_443 = arith.addf %add3A_407, %get3A_442 : vector<16xf32>
        %add3A_444 = arith.constant 7 : i32
        %add3A_445 = arith.addi %add3A_192, %add3A_444 : i32
        %get3A_446 = arith.constant 2 : i32
        %get3A_447 = arith.index_cast %get3A_446 : i32 to index
        %get3A_448 = arith.index_cast %add3A_445 : i32 to index
        %get3A_449 = arith.constant 0 : index
        %get3A_450 = tpu.vector_load %arg6[%get3A_447, %get3A_448, %get3A_449] {strides = array<i32>} : memref<4x104x64xf32, #tpu.memory_space<vmem>>, vector<1x1x16xf32>,
        %get3A_451 = vector.shape_cast %get3A_450 : vector<1x1x16xf32> to vector<16xf32>
        %add3A_452 = arith.addf %add3A_416, %get3A_451 : vector<16xf32>
        %add3A_453 = arith.constant 7 : i32
        %add3A_454 = arith.addi %add3A_192, %add3A_453 : i32
        %get3A_455 = arith.constant 2 : i32
        %get3A_456 = arith.index_cast %get3A_455 : i32 to index
        %get3A_457 = arith.index_cast %add3A_454 : i32 to index
        %get3A_458 = arith.constant 16 : index
        %get3A_459 = tpu.vector_load %arg6[%get3A_456, %get3A_457, %get3A_458] {strides = array<i32>} : memref<4x104x64xf32, #tpu.memory_space<vmem>>, vector<1x1x16xf32>,
        %get3A_460 = vector.shape_cast %get3A_459 : vector<1x1x16xf32> to vector<16xf32>
        %add3A_461 = arith.addf %add3A_425, %get3A_460 : vector<16xf32>
        %add3A_462 = arith.constant 7 : i32
        %add3A_463 = arith.addi %add3A_192, %add3A_462 : i32
        %get3A_464 = arith.constant 2 : i32
        %get3A_465 = arith.index_cast %get3A_464 : i32 to index
        %get3A_466 = arith.index_cast %add3A_463 : i32 to index
        %get3A_467 = arith.constant 32 : index
        %get3A_468 = tpu.vector_load %arg6[%get3A_465, %get3A_466, %get3A_467] {strides = array<i32>} : memref<4x104x64xf32, #tpu.memory_space<vmem>>, vector<1x1x16xf32>,
        %get3A_469 = vector.shape_cast %get3A_468 : vector<1x1x16xf32> to vector<16xf32>
        %add3A_470 = arith.addf %add3A_434, %get3A_469 : vector<16xf32>
        %add3A_471 = arith.constant 7 : i32
        %add3A_472 = arith.addi %add3A_192, %add3A_471 : i32
        %get3A_473 = arith.constant 2 : i32
        %get3A_474 = arith.index_cast %get3A_473 : i32 to index
        %get3A_475 = arith.index_cast %add3A_472 : i32 to index
        %get3A_476 = arith.constant 48 : index
        %get3A_477 = tpu.vector_load %arg6[%get3A_474, %get3A_475, %get3A_476] {strides = array<i32>} : memref<4x104x64xf32, #tpu.memory_space<vmem>>, vector<1x1x16xf32>,
        %get3A_478 = vector.shape_cast %get3A_477 : vector<1x1x16xf32> to vector<16xf32>
        %add3A_479 = arith.addf %add3A_443, %get3A_478 : vector<16xf32>
        scf.yield %add3A_452, %add3A_461, %add3A_470, %add3A_479 : vector<16xf32>, vector<16xf32>, vector<16xf32>, vector<16xf32>
      }
      %scan3A_150 = arith.constant 13 : i32
      %scan3A_151 = arith.constant 0 : i32
      %scan3A_152 = arith.constant 12 : i32
      %scan3A_153 = arith.addi %scan3A_151, %scan3A_152 : i32
      %scan3A_154 = arith.constant 1 : i32
      %scan3A_155:4 = scf.for %scan3A_184 = %scan3A_151 to %scan3A_153 step %scan3A_154 iter_args(%scan3A_185 = %scan3A_149#0, %scan3A_186 = %scan3A_149#1, %scan3A_187 = %scan3A_149#2, %scan3A_188 = %scan3A_149#3) -> (vector<16xf32>, vector<16xf32>, vector<16xf32>, vector<16xf32>)  : i32 {
        %mul3A_189 = arith.constant 8 : i32
        %mul3A_190 = arith.muli %scan3A_184, %mul3A_189 : i32
        %add3A_191 = arith.constant 0 : i32
        %add3A_192 = arith.addi %add3A_191, %mul3A_190 : i32
        %add3A_193 = arith.constant 0 : i32
        %add3A_194 = arith.addi %add3A_192, %add3A_193 : i32
        %get3A = arith.constant 3 : i32
        %get3A_195 = arith.index_cast %get3A : i32 to index
        %get3A_196 = arith.index_cast %add3A_194 : i32 to index
        %get3A_197 = arith.constant 0 : index
        %get3A_198 = tpu.vector_load %arg6[%get3A_195, %get3A_196, %get3A_197] {strides = array<i32>} : memref<4x104x64xf32, #tpu.memory_space<vmem>>, vector<1x1x16xf32>,
        %get3A_199 = vector.shape_cast %get3A_198 : vector<1x1x16xf32> to vector<16xf32>
        %add3A_200 = arith.addf %scan3A_185, %get3A_199 : vector<16xf32>
        %add3A_201 = arith.constant 0 : i32
        %add3A_202 = arith.addi %add3A_192, %add3A_201 : i32
        %get3A_203 = arith.constant 3 : i32
        %get3A_204 = arith.index_cast %get3A_203 : i32 to index
        %get3A_205 = arith.index_cast %add3A_202 : i32 to index
        %get3A_206 = arith.constant 16 : index
        %get3A_207 = tpu.vector_load %arg6[%get3A_204, %get3A_205, %get3A_206] {strides = array<i32>} : memref<4x104x64xf32, #tpu.memory_space<vmem>>, vector<1x1x16xf32>,
        %get3A_208 = vector.shape_cast %get3A_207 : vector<1x1x16xf32> to vector<16xf32>
        %add3A_209 = arith.addf %scan3A_186, %get3A_208 : vector<16xf32>
        %add3A_210 = arith.constant 0 : i32
        %add3A_211 = arith.addi %add3A_192, %add3A_210 : i32
        %get3A_212 = arith.constant 3 : i32
        %get3A_213 = arith.index_cast %get3A_212 : i32 to index
        %get3A_214 = arith.index_cast %add3A_211 : i32 to index
        %get3A_215 = arith.constant 32 : index
        %get3A_216 = tpu.vector_load %arg6[%get3A_213, %get3A_214, %get3A_215] {strides = array<i32>} : memref<4x104x64xf32, #tpu.memory_space<vmem>>, vector<1x1x16xf32>,
        %get3A_217 = vector.shape_cast %get3A_216 : vector<1x1x16xf32> to vector<16xf32>
        %add3A_218 = arith.addf %scan3A_187, %get3A_217 : vector<16xf32>
        %add3A_219 = arith.constant 0 : i32
        %add3A_220 = arith.addi %add3A_192, %add3A_219 : i32
        %get3A_221 = arith.constant 3 : i32
        %get3A_222 = arith.index_cast %get3A_221 : i32 to index
        %get3A_223 = arith.index_cast %add3A_220 : i32 to index
        %get3A_224 = arith.constant 48 : index
        %get3A_225 = tpu.vector_load %arg6[%get3A_222, %get3A_223, %get3A_224] {strides = array<i32>} : memref<4x104x64xf32, #tpu.memory_space<vmem>>, vector<1x1x16xf32>,
        %get3A_226 = vector.shape_cast %get3A_225 : vector<1x1x16xf32> to vector<16xf32>
        %add3A_227 = arith.addf %scan3A_188, %get3A_226 : vector<16xf32>
        %add3A_228 = arith.constant 1 : i32
        %add3A_229 = arith.addi %add3A_192, %add3A_228 : i32
        %get3A_230 = arith.constant 3 : i32
        %get3A_231 = arith.index_cast %get3A_230 : i32 to index
        %get3A_232 = arith.index_cast %add3A_229 : i32 to index
        %get3A_233 = arith.constant 0 : index
        %get3A_234 = tpu.vector_load %arg6[%get3A_231, %get3A_232, %get3A_233] {strides = array<i32>} : memref<4x104x64xf32, #tpu.memory_space<vmem>>, vector<1x1x16xf32>,
        %get3A_235 = vector.shape_cast %get3A_234 : vector<1x1x16xf32> to vector<16xf32>
        %add3A_236 = arith.addf %add3A_200, %get3A_235 : vector<16xf32>
        %add3A_237 = arith.constant 1 : i32
        %add3A_238 = arith.addi %add3A_192, %add3A_237 : i32
        %get3A_239 = arith.constant 3 : i32
        %get3A_240 = arith.index_cast %get3A_239 : i32 to index
        %get3A_241 = arith.index_cast %add3A_238 : i32 to index
        %get3A_242 = arith.constant 16 : index
        %get3A_243 = tpu.vector_load %arg6[%get3A_240, %get3A_241, %get3A_242] {strides = array<i32>} : memref<4x104x64xf32, #tpu.memory_space<vmem>>, vector<1x1x16xf32>,
        %get3A_244 = vector.shape_cast %get3A_243 : vector<1x1x16xf32> to vector<16xf32>
        %add3A_245 = arith.addf %add3A_209, %get3A_244 : vector<16xf32>
        %add3A_246 = arith.constant 1 : i32
        %add3A_247 = arith.addi %add3A_192, %add3A_246 : i32
        %get3A_248 = arith.constant 3 : i32
        %get3A_249 = arith.index_cast %get3A_248 : i32 to index
        %get3A_250 = arith.index_cast %add3A_247 : i32 to index
        %get3A_251 = arith.constant 32 : index
        %get3A_252 = tpu.vector_load %arg6[%get3A_249, %get3A_250, %get3A_251] {strides = array<i32>} : memref<4x104x64xf32, #tpu.memory_space<vmem>>, vector<1x1x16xf32>,
        %get3A_253 = vector.shape_cast %get3A_252 : vector<1x1x16xf32> to vector<16xf32>
        %add3A_254 = arith.addf %add3A_218, %get3A_253 : vector<16xf32>
        %add3A_255 = arith.constant 1 : i32
        %add3A_256 = arith.addi %add3A_192, %add3A_255 : i32
        %get3A_257 = arith.constant 3 : i32
        %get3A_258 = arith.index_cast %get3A_257 : i32 to index
        %get3A_259 = arith.index_cast %add3A_256 : i32 to index
        %get3A_260 = arith.constant 48 : index
        %get3A_261 = tpu.vector_load %arg6[%get3A_258, %get3A_259, %get3A_260] {strides = array<i32>} : memref<4x104x64xf32, #tpu.memory_space<vmem>>, vector<1x1x16xf32>,
        %get3A_262 = vector.shape_cast %get3A_261 : vector<1x1x16xf32> to vector<16xf32>
        %add3A_263 = arith.addf %add3A_227, %get3A_262 : vector<16xf32>
        %add3A_264 = arith.constant 2 : i32
        %add3A_265 = arith.addi %add3A_192, %add3A_264 : i32
        %get3A_266 = arith.constant 3 : i32
        %get3A_267 = arith.index_cast %get3A_266 : i32 to index
        %get3A_268 = arith.index_cast %add3A_265 : i32 to index
        %get3A_269 = arith.constant 0 : index
        %get3A_270 = tpu.vector_load %arg6[%get3A_267, %get3A_268, %get3A_269] {strides = array<i32>} : memref<4x104x64xf32, #tpu.memory_space<vmem>>, vector<1x1x16xf32>,
        %get3A_271 = vector.shape_cast %get3A_270 : vector<1x1x16xf32> to vector<16xf32>
        %add3A_272 = arith.addf %add3A_236, %get3A_271 : vector<16xf32>
        %add3A_273 = arith.constant 2 : i32
        %add3A_274 = arith.addi %add3A_192, %add3A_273 : i32
        %get3A_275 = arith.constant 3 : i32
        %get3A_276 = arith.index_cast %get3A_275 : i32 to index
        %get3A_277 = arith.index_cast %add3A_274 : i32 to index
        %get3A_278 = arith.constant 16 : index
        %get3A_279 = tpu.vector_load %arg6[%get3A_276, %get3A_277, %get3A_278] {strides = array<i32>} : memref<4x104x64xf32, #tpu.memory_space<vmem>>, vector<1x1x16xf32>,
        %get3A_280 = vector.shape_cast %get3A_279 : vector<1x1x16xf32> to vector<16xf32>
        %add3A_281 = arith.addf %add3A_245, %get3A_280 : vector<16xf32>
        %add3A_282 = arith.constant 2 : i32
        %add3A_283 = arith.addi %add3A_192, %add3A_282 : i32
        %get3A_284 = arith.constant 3 : i32
        %get3A_285 = arith.index_cast %get3A_284 : i32 to index
        %get3A_286 = arith.index_cast %add3A_283 : i32 to index
        %get3A_287 = arith.constant 32 : index
        %get3A_288 = tpu.vector_load %arg6[%get3A_285, %get3A_286, %get3A_287] {strides = array<i32>} : memref<4x104x64xf32, #tpu.memory_space<vmem>>, vector<1x1x16xf32>,
        %get3A_289 = vector.shape_cast %get3A_288 : vector<1x1x16xf32> to vector<16xf32>
        %add3A_290 = arith.addf %add3A_254, %get3A_289 : vector<16xf32>
        %add3A_291 = arith.constant 2 : i32
        %add3A_292 = arith.addi %add3A_192, %add3A_291 : i32
        %get3A_293 = arith.constant 3 : i32
        %get3A_294 = arith.index_cast %get3A_293 : i32 to index
        %get3A_295 = arith.index_cast %add3A_292 : i32 to index
        %get3A_296 = arith.constant 48 : index
        %get3A_297 = tpu.vector_load %arg6[%get3A_294, %get3A_295, %get3A_296] {strides = array<i32>} : memref<4x104x64xf32, #tpu.memory_space<vmem>>, vector<1x1x16xf32>,
        %get3A_298 = vector.shape_cast %get3A_297 : vector<1x1x16xf32> to vector<16xf32>
        %add3A_299 = arith.addf %add3A_263, %get3A_298 : vector<16xf32>
        %add3A_300 = arith.constant 3 : i32
        %add3A_301 = arith.addi %add3A_192, %add3A_300 : i32
        %get3A_302 = arith.constant 3 : i32
        %get3A_303 = arith.index_cast %get3A_302 : i32 to index
        %get3A_304 = arith.index_cast %add3A_301 : i32 to index
        %get3A_305 = arith.constant 0 : index
        %get3A_306 = tpu.vector_load %arg6[%get3A_303, %get3A_304, %get3A_305] {strides = array<i32>} : memref<4x104x64xf32, #tpu.memory_space<vmem>>, vector<1x1x16xf32>,
        %get3A_307 = vector.shape_cast %get3A_306 : vector<1x1x16xf32> to vector<16xf32>
        %add3A_308 = arith.addf %add3A_272, %get3A_307 : vector<16xf32>
        %add3A_309 = arith.constant 3 : i32
        %add3A_310 = arith.addi %add3A_192, %add3A_309 : i32
        %get3A_311 = arith.constant 3 : i32
        %get3A_312 = arith.index_cast %get3A_311 : i32 to index
        %get3A_313 = arith.index_cast %add3A_310 : i32 to index
        %get3A_314 = arith.constant 16 : index
        %get3A_315 = tpu.vector_load %arg6[%get3A_312, %get3A_313, %get3A_314] {strides = array<i32>} : memref<4x104x64xf32, #tpu.memory_space<vmem>>, vector<1x1x16xf32>,
        %get3A_316 = vector.shape_cast %get3A_315 : vector<1x1x16xf32> to vector<16xf32>
        %add3A_317 = arith.addf %add3A_281, %get3A_316 : vector<16xf32>
        %add3A_318 = arith.constant 3 : i32
        %add3A_319 = arith.addi %add3A_192, %add3A_318 : i32
        %get3A_320 = arith.constant 3 : i32
        %get3A_321 = arith.index_cast %get3A_320 : i32 to index
        %get3A_322 = arith.index_cast %add3A_319 : i32 to index
        %get3A_323 = arith.constant 32 : index
        %get3A_324 = tpu.vector_load %arg6[%get3A_321, %get3A_322, %get3A_323] {strides = array<i32>} : memref<4x104x64xf32, #tpu.memory_space<vmem>>, vector<1x1x16xf32>,
        %get3A_325 = vector.shape_cast %get3A_324 : vector<1x1x16xf32> to vector<16xf32>
        %add3A_326 = arith.addf %add3A_290, %get3A_325 : vector<16xf32>
        %add3A_327 = arith.constant 3 : i32
        %add3A_328 = arith.addi %add3A_192, %add3A_327 : i32
        %get3A_329 = arith.constant 3 : i32
        %get3A_330 = arith.index_cast %get3A_329 : i32 to index
        %get3A_331 = arith.index_cast %add3A_328 : i32 to index
        %get3A_332 = arith.constant 48 : index
        %get3A_333 = tpu.vector_load %arg6[%get3A_330, %get3A_331, %get3A_332] {strides = array<i32>} : memref<4x104x64xf32, #tpu.memory_space<vmem>>, vector<1x1x16xf32>,
        %get3A_334 = vector.shape_cast %get3A_333 : vector<1x1x16xf32> to vector<16xf32>
        %add3A_335 = arith.addf %add3A_299, %get3A_334 : vector<16xf32>
        %add3A_336 = arith.constant 4 : i32
        %add3A_337 = arith.addi %add3A_192, %add3A_336 : i32
        %get3A_338 = arith.constant 3 : i32
        %get3A_339 = arith.index_cast %get3A_338 : i32 to index
        %get3A_340 = arith.index_cast %add3A_337 : i32 to index
        %get3A_341 = arith.constant 0 : index
        %get3A_342 = tpu.vector_load %arg6[%get3A_339, %get3A_340, %get3A_341] {strides = array<i32>} : memref<4x104x64xf32, #tpu.memory_space<vmem>>, vector<1x1x16xf32>,
        %get3A_343 = vector.shape_cast %get3A_342 : vector<1x1x16xf32> to vector<16xf32>
        %add3A_344 = arith.addf %add3A_308, %get3A_343 : vector<16xf32>
        %add3A_345 = arith.constant 4 : i32
        %add3A_346 = arith.addi %add3A_192, %add3A_345 : i32
        %get3A_347 = arith.constant 3 : i32
        %get3A_348 = arith.index_cast %get3A_347 : i32 to index
        %get3A_349 = arith.index_cast %add3A_346 : i32 to index
        %get3A_350 = arith.constant 16 : index
        %get3A_351 = tpu.vector_load %arg6[%get3A_348, %get3A_349, %get3A_350] {strides = array<i32>} : memref<4x104x64xf32, #tpu.memory_space<vmem>>, vector<1x1x16xf32>,
        %get3A_352 = vector.shape_cast %get3A_351 : vector<1x1x16xf32> to vector<16xf32>
        %add3A_353 = arith.addf %add3A_317, %get3A_352 : vector<16xf32>
        %add3A_354 = arith.constant 4 : i32
        %add3A_355 = arith.addi %add3A_192, %add3A_354 : i32
        %get3A_356 = arith.constant 3 : i32
        %get3A_357 = arith.index_cast %get3A_356 : i32 to index
        %get3A_358 = arith.index_cast %add3A_355 : i32 to index
        %get3A_359 = arith.constant 32 : index
        %get3A_360 = tpu.vector_load %arg6[%get3A_357, %get3A_358, %get3A_359] {strides = array<i32>} : memref<4x104x64xf32, #tpu.memory_space<vmem>>, vector<1x1x16xf32>,
        %get3A_361 = vector.shape_cast %get3A_360 : vector<1x1x16xf32> to vector<16xf32>
        %add3A_362 = arith.addf %add3A_326, %get3A_361 : vector<16xf32>
        %add3A_363 = arith.constant 4 : i32
        %add3A_364 = arith.addi %add3A_192, %add3A_363 : i32
        %get3A_365 = arith.constant 3 : i32
        %get3A_366 = arith.index_cast %get3A_365 : i32 to index
        %get3A_367 = arith.index_cast %add3A_364 : i32 to index
        %get3A_368 = arith.constant 48 : index
        %get3A_369 = tpu.vector_load %arg6[%get3A_366, %get3A_367, %get3A_368] {strides = array<i32>} : memref<4x104x64xf32, #tpu.memory_space<vmem>>, vector<1x1x16xf32>,
        %get3A_370 = vector.shape_cast %get3A_369 : vector<1x1x16xf32> to vector<16xf32>
        %add3A_371 = arith.addf %add3A_335, %get3A_370 : vector<16xf32>
        %add3A_372 = arith.constant 5 : i32
        %add3A_373 = arith.addi %add3A_192, %add3A_372 : i32
        %get3A_374 = arith.constant 3 : i32
        %get3A_375 = arith.index_cast %get3A_374 : i32 to index
        %get3A_376 = arith.index_cast %add3A_373 : i32 to index
        %get3A_377 = arith.constant 0 : index
        %get3A_378 = tpu.vector_load %arg6[%get3A_375, %get3A_376, %get3A_377] {strides = array<i32>} : memref<4x104x64xf32, #tpu.memory_space<vmem>>, vector<1x1x16xf32>,
        %get3A_379 = vector.shape_cast %get3A_378 : vector<1x1x16xf32> to vector<16xf32>
        %add3A_380 = arith.addf %add3A_344, %get3A_379 : vector<16xf32>
        %add3A_381 = arith.constant 5 : i32
        %add3A_382 = arith.addi %add3A_192, %add3A_381 : i32
        %get3A_383 = arith.constant 3 : i32
        %get3A_384 = arith.index_cast %get3A_383 : i32 to index
        %get3A_385 = arith.index_cast %add3A_382 : i32 to index
        %get3A_386 = arith.constant 16 : index
        %get3A_387 = tpu.vector_load %arg6[%get3A_384, %get3A_385, %get3A_386] {strides = array<i32>} : memref<4x104x64xf32, #tpu.memory_space<vmem>>, vector<1x1x16xf32>,
        %get3A_388 = vector.shape_cast %get3A_387 : vector<1x1x16xf32> to vector<16xf32>
        %add3A_389 = arith.addf %add3A_353, %get3A_388 : vector<16xf32>
        %add3A_390 = arith.constant 5 : i32
        %add3A_391 = arith.addi %add3A_192, %add3A_390 : i32
        %get3A_392 = arith.constant 3 : i32
        %get3A_393 = arith.index_cast %get3A_392 : i32 to index
        %get3A_394 = arith.index_cast %add3A_391 : i32 to index
        %get3A_395 = arith.constant 32 : index
        %get3A_396 = tpu.vector_load %arg6[%get3A_393, %get3A_394, %get3A_395] {strides = array<i32>} : memref<4x104x64xf32, #tpu.memory_space<vmem>>, vector<1x1x16xf32>,
        %get3A_397 = vector.shape_cast %get3A_396 : vector<1x1x16xf32> to vector<16xf32>
        %add3A_398 = arith.addf %add3A_362, %get3A_397 : vector<16xf32>
        %add3A_399 = arith.constant 5 : i32
        %add3A_400 = arith.addi %add3A_192, %add3A_399 : i32
        %get3A_401 = arith.constant 3 : i32
        %get3A_402 = arith.index_cast %get3A_401 : i32 to index
        %get3A_403 = arith.index_cast %add3A_400 : i32 to index
        %get3A_404 = arith.constant 48 : index
        %get3A_405 = tpu.vector_load %arg6[%get3A_402, %get3A_403, %get3A_404] {strides = array<i32>} : memref<4x104x64xf32, #tpu.memory_space<vmem>>, vector<1x1x16xf32>,
        %get3A_406 = vector.shape_cast %get3A_405 : vector<1x1x16xf32> to vector<16xf32>
        %add3A_407 = arith.addf %add3A_371, %get3A_406 : vector<16xf32>
        %add3A_408 = arith.constant 6 : i32
        %add3A_409 = arith.addi %add3A_192, %add3A_408 : i32
        %get3A_410 = arith.constant 3 : i32
        %get3A_411 = arith.index_cast %get3A_410 : i32 to index
        %get3A_412 = arith.index_cast %add3A_409 : i32 to index
        %get3A_413 = arith.constant 0 : index
        %get3A_414 = tpu.vector_load %arg6[%get3A_411, %get3A_412, %get3A_413] {strides = array<i32>} : memref<4x104x64xf32, #tpu.memory_space<vmem>>, vector<1x1x16xf32>,
        %get3A_415 = vector.shape_cast %get3A_414 : vector<1x1x16xf32> to vector<16xf32>
        %add3A_416 = arith.addf %add3A_380, %get3A_415 : vector<16xf32>
        %add3A_417 = arith.constant 6 : i32
        %add3A_418 = arith.addi %add3A_192, %add3A_417 : i32
        %get3A_419 = arith.constant 3 : i32
        %get3A_420 = arith.index_cast %get3A_419 : i32 to index
        %get3A_421 = arith.index_cast %add3A_418 : i32 to index
        %get3A_422 = arith.constant 16 : index
        %get3A_423 = tpu.vector_load %arg6[%get3A_420, %get3A_421, %get3A_422] {strides = array<i32>} : memref<4x104x64xf32, #tpu.memory_space<vmem>>, vector<1x1x16xf32>,
        %get3A_424 = vector.shape_cast %get3A_423 : vector<1x1x16xf32> to vector<16xf32>
        %add3A_425 = arith.addf %add3A_389, %get3A_424 : vector<16xf32>
        %add3A_426 = arith.constant 6 : i32
        %add3A_427 = arith.addi %add3A_192, %add3A_426 : i32
        %get3A_428 = arith.constant 3 : i32
        %get3A_429 = arith.index_cast %get3A_428 : i32 to index
        %get3A_430 = arith.index_cast %add3A_427 : i32 to index
        %get3A_431 = arith.constant 32 : index
        %get3A_432 = tpu.vector_load %arg6[%get3A_429, %get3A_430, %get3A_431] {strides = array<i32>} : memref<4x104x64xf32, #tpu.memory_space<vmem>>, vector<1x1x16xf32>,
        %get3A_433 = vector.shape_cast %get3A_432 : vector<1x1x16xf32> to vector<16xf32>
        %add3A_434 = arith.addf %add3A_398, %get3A_433 : vector<16xf32>
        %add3A_435 = arith.constant 6 : i32
        %add3A_436 = arith.addi %add3A_192, %add3A_435 : i32
        %get3A_437 = arith.constant 3 : i32
        %get3A_438 = arith.index_cast %get3A_437 : i32 to index
        %get3A_439 = arith.index_cast %add3A_436 : i32 to index
        %get3A_440 = arith.constant 48 : index
        %get3A_441 = tpu.vector_load %arg6[%get3A_438, %get3A_439, %get3A_440] {strides = array<i32>} : memref<4x104x64xf32, #tpu.memory_space<vmem>>, vector<1x1x16xf32>,
        %get3A_442 = vector.shape_cast %get3A_441 : vector<1x1x16xf32> to vector<16xf32>
        %add3A_443 = arith.addf %add3A_407, %get3A_442 : vector<16xf32>
        %add3A_444 = arith.constant 7 : i32
        %add3A_445 = arith.addi %add3A_192, %add3A_444 : i32
        %get3A_446 = arith.constant 3 : i32
        %get3A_447 = arith.index_cast %get3A_446 : i32 to index
        %get3A_448 = arith.index_cast %add3A_445 : i32 to index
        %get3A_449 = arith.constant 0 : index
        %get3A_450 = tpu.vector_load %arg6[%get3A_447, %get3A_448, %get3A_449] {strides = array<i32>} : memref<4x104x64xf32, #tpu.memory_space<vmem>>, vector<1x1x16xf32>,
        %get3A_451 = vector.shape_cast %get3A_450 : vector<1x1x16xf32> to vector<16xf32>
        %add3A_452 = arith.addf %add3A_416, %get3A_451 : vector<16xf32>
        %add3A_453 = arith.constant 7 : i32
        %add3A_454 = arith.addi %add3A_192, %add3A_453 : i32
        %get3A_455 = arith.constant 3 : i32
        %get3A_456 = arith.index_cast %get3A_455 : i32 to index
        %get3A_457 = arith.index_cast %add3A_454 : i32 to index
        %get3A_458 = arith.constant 16 : index
        %get3A_459 = tpu.vector_load %arg6[%get3A_456, %get3A_457, %get3A_458] {strides = array<i32>} : memref<4x104x64xf32, #tpu.memory_space<vmem>>, vector<1x1x16xf32>,
        %get3A_460 = vector.shape_cast %get3A_459 : vector<1x1x16xf32> to vector<16xf32>
        %add3A_461 = arith.addf %add3A_425, %get3A_460 : vector<16xf32>
        %add3A_462 = arith.constant 7 : i32
        %add3A_463 = arith.addi %add3A_192, %add3A_462 : i32
        %get3A_464 = arith.constant 3 : i32
        %get3A_465 = arith.index_cast %get3A_464 : i32 to index
        %get3A_466 = arith.index_cast %add3A_463 : i32 to index
        %get3A_467 = arith.constant 32 : index
        %get3A_468 = tpu.vector_load %arg6[%get3A_465, %get3A_466, %get3A_467] {strides = array<i32>} : memref<4x104x64xf32, #tpu.memory_space<vmem>>, vector<1x1x16xf32>,
        %get3A_469 = vector.shape_cast %get3A_468 : vector<1x1x16xf32> to vector<16xf32>
        %add3A_470 = arith.addf %add3A_434, %get3A_469 : vector<16xf32>
        %add3A_471 = arith.constant 7 : i32
        %add3A_472 = arith.addi %add3A_192, %add3A_471 : i32
        %get3A_473 = arith.constant 3 : i32
        %get3A_474 = arith.index_cast %get3A_473 : i32 to index
        %get3A_475 = arith.index_cast %add3A_472 : i32 to index
        %get3A_476 = arith.constant 48 : index
        %get3A_477 = tpu.vector_load %arg6[%get3A_474, %get3A_475, %get3A_476] {strides = array<i32>} : memref<4x104x64xf32, #tpu.memory_space<vmem>>, vector<1x1x16xf32>,
        %get3A_478 = vector.shape_cast %get3A_477 : vector<1x1x16xf32> to vector<16xf32>
        %add3A_479 = arith.addf %add3A_443, %get3A_478 : vector<16xf32>
        scf.yield %add3A_452, %add3A_461, %add3A_470, %add3A_479 : vector<16xf32>, vector<16xf32>, vector<16xf32>, vector<16xf32>
      }
      %scan3A_156 = arith.constant 12 : i32
      %add3A_157 = arith.constant 2 : i32
      %add3A_158 = arith.addi %add3A_120, %add3A_157 : i32
      %lt3A_159 = arith.constant 128 : i32
      %lt3A_160 = arith.cmpi slt, %add3A_158, %lt3A_159 : i32
      %convert_element_type3A_161 = arith.extui %lt3A_160 : i1 to i32
      %cond3A_162 = arith.constant 0 : i32
      %cond3A_163 = arith.cmpi ne, %convert_element_type3A_161, %cond3A_162 : i32
      scf.if %cond3A_163 {
        %add3A_184 = arith.constant 2 : i32
        %add3A_185 = arith.addi %add3A_120, %add3A_184 : i32
        %dma_start3A_186 = arith.constant 2 : i32
        %dma_start3A_187 = arith.constant 0 : i32
        %dma_start3A_188 = arith.constant 0 : i32
        %dma_start3A_189 = tpu.memref_slice %arg6[%dma_start3A_186, %dma_start3A_187, %dma_start3A_188] : memref<4x104x64xf32, #tpu.memory_space<vmem>> -> memref<1x104x64xf32, #tpu.memory_space<vmem>>
        %dma_start3A_190 = tpu.memref_squeeze %dma_start3A_189 : memref<1x104x64xf32, #tpu.memory_space<vmem>> -> memref<104x64xf32, #tpu.memory_space<vmem>>
        %dma_start3A_191 = arith.constant 0 : i32
        %dma_start3A_192 = tpu.memref_slice %arg5[%add3A_185, %dma_start3A_191] : memref<128x200xi32, #tpu.memory_space<vmem>> -> memref<1x104xi32, #tpu.memory_space<vmem>>
        %dma_start3A_193 = tpu.memref_squeeze %dma_start3A_192 : memref<1x104xi32, #tpu.memory_space<vmem>> -> memref<104xi32, #tpu.memory_space<vmem>>
        %dma_start3A_194 = arith.constant 0 : i32
        %dma_start3A_195 = arith.constant 0 : i32
        %dma_start3A_196 = tpu.memref_slice %arg3[%dma_start3A_194, %dma_start3A_195] : memref<1000000x64xf32, #tpu.memory_space<hbm>> -> memref<1000000x64xf32, #tpu.memory_space<hbm>>
        tpu.enqueue_indirect_dma source(%dma_start3A_196 : memref<1000000x64xf32, #tpu.memory_space<hbm>>) target(%dma_start3A_190 : memref<104x64xf32, #tpu.memory_space<vmem>>) offsets(%dma_start3A_193 : memref<104xi32, #tpu.memory_space<vmem>>) semaphore(%arg10 : memref<!tpu.dma_semaphore, #tpu.memory_space<semaphore_mem>>)
        %dma_start3A_197 = arith.constant 3 : i32
        %dma_start3A_198 = arith.constant 0 : i32
        %dma_start3A_199 = arith.constant 0 : i32
        %dma_start3A_200 = tpu.memref_slice %arg6[%dma_start3A_197, %dma_start3A_198, %dma_start3A_199] : memref<4x104x64xf32, #tpu.memory_space<vmem>> -> memref<1x96x64xf32, #tpu.memory_space<vmem>>
        %dma_start3A_201 = tpu.memref_squeeze %dma_start3A_200 : memref<1x96x64xf32, #tpu.memory_space<vmem>> -> memref<96x64xf32, #tpu.memory_space<vmem>>
        %dma_start3A_202 = arith.constant 104 : i32
        %dma_start3A_203 = tpu.memref_slice %arg5[%add3A_185, %dma_start3A_202] : memref<128x200xi32, #tpu.memory_space<vmem>> -> memref<1x96xi32, #tpu.memory_space<vmem>>
        %dma_start3A_204 = tpu.memref_squeeze %dma_start3A_203 : memref<1x96xi32, #tpu.memory_space<vmem>> -> memref<96xi32, #tpu.memory_space<vmem>>
        %dma_start3A_205 = arith.constant 0 : i32
        %dma_start3A_206 = arith.constant 0 : i32
        %dma_start3A_207 = tpu.memref_slice %arg3[%dma_start3A_205, %dma_start3A_206] : memref<1000000x64xf32, #tpu.memory_space<hbm>> -> memref<1000000x64xf32, #tpu.memory_space<hbm>>
        tpu.enqueue_indirect_dma source(%dma_start3A_207 : memref<1000000x64xf32, #tpu.memory_space<hbm>>) target(%dma_start3A_201 : memref<96x64xf32, #tpu.memory_space<vmem>>) offsets(%dma_start3A_204 : memref<96xi32, #tpu.memory_space<vmem>>) semaphore(%arg11 : memref<!tpu.dma_semaphore, #tpu.memory_space<semaphore_mem>>)
      } else {
      }
      %swap3A_164 = arith.index_cast %add3A_120 : i32 to index
      %swap3A_165 = arith.constant 0 : index
      %swap3A_166 = tpu.vector_load %arg7[%swap3A_164, %swap3A_165] {strides = array<i32>} : memref<128x64xf32, #tpu.memory_space<vmem>>, vector<1x16xf32>,
      %swap3A_167 = vector.shape_cast %swap3A_166 : vector<1x16xf32> to vector<16xf32>
      %swap3A_168 = vector.shape_cast %scan3A_155#0 : vector<16xf32> to vector<1x16xf32>
      tpu.vector_store %arg7[%swap3A_164, %swap3A_165], %swap3A_168 {strides = array<i32>} : memref<128x64xf32, #tpu.memory_space<vmem>>, vector<1x16xf32>,
      %swap3A_169 = arith.index_cast %add3A_120 : i32 to index
      %swap3A_170 = arith.constant 16 : index
      %swap3A_171 = tpu.vector_load %arg7[%swap3A_169, %swap3A_170] {strides = array<i32>} : memref<128x64xf32, #tpu.memory_space<vmem>>, vector<1x16xf32>,
      %swap3A_172 = vector.shape_cast %swap3A_171 : vector<1x16xf32> to vector<16xf32>
      %swap3A_173 = vector.shape_cast %scan3A_155#1 : vector<16xf32> to vector<1x16xf32>
      tpu.vector_store %arg7[%swap3A_169, %swap3A_170], %swap3A_173 {strides = array<i32>} : memref<128x64xf32, #tpu.memory_space<vmem>>, vector<1x16xf32>,
      %swap3A_174 = arith.index_cast %add3A_120 : i32 to index
      %swap3A_175 = arith.constant 32 : index
      %swap3A_176 = tpu.vector_load %arg7[%swap3A_174, %swap3A_175] {strides = array<i32>} : memref<128x64xf32, #tpu.memory_space<vmem>>, vector<1x16xf32>,
      %swap3A_177 = vector.shape_cast %swap3A_176 : vector<1x16xf32> to vector<16xf32>
      %swap3A_178 = vector.shape_cast %scan3A_155#2 : vector<16xf32> to vector<1x16xf32>
      tpu.vector_store %arg7[%swap3A_174, %swap3A_175], %swap3A_178 {strides = array<i32>} : memref<128x64xf32, #tpu.memory_space<vmem>>, vector<1x16xf32>,
      %swap3A_179 = arith.index_cast %add3A_120 : i32 to index
      %swap3A_180 = arith.constant 48 : index
      %swap3A_181 = tpu.vector_load %arg7[%swap3A_179, %swap3A_180] {strides = array<i32>} : memref<128x64xf32, #tpu.memory_space<vmem>>, vector<1x16xf32>,
      %swap3A_182 = vector.shape_cast %swap3A_181 : vector<1x16xf32> to vector<16xf32>
      %swap3A_183 = vector.shape_cast %scan3A_155#3 : vector<16xf32> to vector<1x16xf32>
      tpu.vector_store %arg7[%swap3A_179, %swap3A_180], %swap3A_183 {strides = array<i32>} : memref<128x64xf32, #tpu.memory_space<vmem>>, vector<1x16xf32>,
    }
    %scan3A_55 = arith.constant 64 : i32
    %mul3A_56 = arith.constant 128 : i32
    %mul3A_57 = arith.muli %add3A, %mul3A_56 : i32
    "tpu.region"() ({
      %run_scoped3A = tpu.sem_alloc : memref<!tpu.dma_semaphore, #tpu.memory_space<semaphore_mem>>
      %dma_start3A_58 = arith.constant 0 : i32
      %dma_start3A_59 = tpu.memref_slice %arg4[%mul3A_57, %dma_start3A_58] : memref<4096x64xf32, #tpu.memory_space<hbm>> -> memref<128x64xf32, #tpu.memory_space<hbm>>
      %dma_start3A_60 = arith.constant 0 : i32
      %dma_start3A_61 = tpu.memref_slice %arg4[%mul3A_57, %dma_start3A_60] : memref<4096x64xf32, #tpu.memory_space<hbm>> -> memref<128x64xf32, #tpu.memory_space<hbm>>
      tpu.enqueue_dma source(%arg7 : memref<128x64xf32, #tpu.memory_space<vmem>>) target(%dma_start3A_61 : memref<128x64xf32, #tpu.memory_space<hbm>>) target_semaphore(%run_scoped3A : memref<!tpu.dma_semaphore, #tpu.memory_space<semaphore_mem>>)
      %dma_wait3A = arith.constant 0 : i32
      %dma_wait3A_62 = tpu.memref_slice %arg4[%mul3A_57, %dma_wait3A] : memref<4096x64xf32, #tpu.memory_space<hbm>> -> memref<128x64xf32, #tpu.memory_space<hbm>>
      %dma_wait3A_63 = arith.constant 0 : i32
      %dma_wait3A_64 = tpu.memref_slice %arg4[%mul3A_57, %dma_wait3A_63] : memref<4096x64xf32, #tpu.memory_space<hbm>> -> memref<128x64xf32, #tpu.memory_space<hbm>>
      tpu.wait_dma2 semaphore(%run_scoped3A : memref<!tpu.dma_semaphore, #tpu.memory_space<semaphore_mem>>) src(%arg7 : memref<128x64xf32, #tpu.memory_space<vmem>>) dst(%dma_wait3A_64 : memref<128x64xf32, #tpu.memory_space<hbm>>)
      tpu.yield
    }) : () -> ()
    return
  }
}

module attributes {stable_mosaic.version = 14 : i64} {
  func.func @_head_body(%arg0: memref<4096x64xf32, #tpu.memory_space<vmem>>, %arg1: memref<64x2xf32, #tpu.memory_space<vmem>>, %arg2: memref<1x2xf32, #tpu.memory_space<vmem>>, %arg3: memref<4096x2xf32, #tpu.memory_space<vmem>>) attributes {dimension_semantics = [], scalar_prefetch = 0 : i64, scratch_operands = 0 : i64, tpu.core_type = #tpu.core_type<tc>} {
    %get3A = arith.constant 0 : index
    %get3A_0 = arith.constant 0 : index
    %get3A_1 = vector.load %arg0[%get3A, %get3A_0] : memref<4096x64xf32, #tpu.memory_space<vmem>>, vector<4096x64xf32>
    %get3A_2 = arith.constant 0 : index
    %get3A_3 = arith.constant 0 : index
    %get3A_4 = vector.load %arg1[%get3A_2, %get3A_3] : memref<64x2xf32, #tpu.memory_space<vmem>>, vector<64x2xf32>
    %dot_general3A = arith.constant dense<0.000000e+00> : vector<4096x2xf32>
    %dot_general3A_5 = tpu.matmul %get3A_1, %get3A_4, %dot_general3A {dimension_numbers = #tpu.dot_dimension_numbers<[1], [0], [0], [1], [0, 0, 1, 1], [], []>, transpose_lhs_hint = false} : vector<4096x64xf32>, vector<64x2xf32>, vector<4096x2xf32> -> vector<4096x2xf32>
    %mul3A = arith.constant 5.000000e-03 : f32
    %mul3A_6 = vector.broadcast %mul3A : f32 to vector<4096x2xf32>
    %mul3A_7 = arith.mulf %dot_general3A_5, %mul3A_6 : vector<4096x2xf32>
    %get3A_8 = arith.constant 0 : index
    %get3A_9 = arith.constant 0 : index
    %get3A_10 = vector.load %arg2[%get3A_8, %get3A_9] : memref<1x2xf32, #tpu.memory_space<vmem>>, vector<1x2xf32>
    %add3A = vector.broadcast %get3A_10 : vector<1x2xf32> to vector<4096x2xf32>
    %add3A_11 = arith.addf %mul3A_7, %add3A : vector<4096x2xf32>
    %swap3A = arith.constant 0 : index
    %swap3A_12 = arith.constant 0 : index
    %swap3A_13 = vector.load %arg3[%swap3A, %swap3A_12] : memref<4096x2xf32, #tpu.memory_space<vmem>>, vector<4096x2xf32>
    tpu.vector_store %arg3[%swap3A, %swap3A_12], %add3A_11 {strides = array<i32>} : memref<4096x2xf32, #tpu.memory_space<vmem>>, vector<4096x2xf32>,
    return
  }
}

</mosaic_0001>

<sc_bundles>
// kernel: kernel.4.cloned.1.call-start
scs
__scs_entry_jumppad:
0x0: {  	(pc) =	sbr.rel $0x88, $3  }
0x1: {  	(tag) =	ssettag $0x0;
	lr =	simm.s32 $0x1  }
0x2: {  	[smem:$0x3F9D] =	sst lr;
	_ =	strace $0xD0000000  }
0x3: {  	_ = 	snop  }
0x4: {  	_ = 	snop  }
0x5: {  	_ = 	snop  }
0x6: {  	_ = 	snop  }
0x7: {  	_ = 	snop  }
__scs_overlays_trampoline_lowered:
0x8: {  	[smem:$0x3FAC] =	sst s0  }
0x9: {  	[smem:$0x3FAD] =	sst s1  }
0xa: {  	[smem:$0x3FAE] =	sst s2  }
0xb: {  	[smem:$0x3FAF] =	sst s3  }
0xc: {  	[smem:$0x3FB0] =	sst s4  }
0xd: {  	[smem:$0x3FB1] =	sst s5  }
0xe: {  	[smem:$0x3FB2] =	sst s6  }
0xf: {  	[smem:$0x3FB3] =	sst s7  }
0x10: {  	[smem:$0x3FB4] =	sst s8  }
0x11: {  	[smem:$0x3FB5] =	sst s9;
	s0 =	simm.s32 @!p0 $0x0  }
0x12: {  	s1 =	sld [smem:$0x3F9B];
	s0 =	simm.s32 @p0 $0x1  }
0x13: {  	[smem:$0x3FB6] =	sst s0;
	s0 =	simm.s32 @!p1 $0x0  }
0x14: {  	s2 =	sld [smem:$0x3F9A];
	s0 =	simm.s32 @p1 $0x1  }
0x15: {  	[smem:$0x3FB7] =	sst s0;
	s0 =	simm.s32 @!p2 $0x0  }
0x16: {  	s3 =	sld [smem:$0x3FDB];
	s0 =	simm.s32 @p2 $0x1  }
0x17: {  	s4 =	simm.s32 $0x1BF5;
	[smem:$0x3FB9] =	sst s0  }
0x18: {  	s0 =	sld [smem:$0x3F9C];
	_ =	swait.ge [sflag:s4], $0x0  }
0x19: {  	s7 =	sld [smem:$0x3F9D]  }
0x1a: {  	s8 =	sadd.s32 $0xFFFFE003, lr  }
0x1b: {  	s9 =	sadd.s32 $0xFFFFFEF7, lr;
	s5 =	simm.s32 $0xFFFFFFFF;
	p2 =	slt.u32 s8, $0xFFFFF086  }
0x1c: {  	p1 =	slt.u32 s9, $0xF7A;
	s5 =	simm.s32 @!p2 $0x0  }
0x1d: {  	s5 =	simm.s32 @p1 $0x1;
	p0 =	seq.s32 s7, s2  }
0x1e: {  	s7 =	smul.u32 @!p0 $0xF7A, s2;
	p2 =	seq.s32 @!p0 s5, $0x0  }
0x1f: {  	s9 =	smul.u32 $0xF7A, s1;
	s8 =	simm.s32 @!p0 $0x1BF5;
	p2 =	por !p2, p0  }
0x20: {  	[sflag:s8] =	ssyncset.s32 @!p0 $0xFFFFF086;
	s6 =	sadd.s32 @!p0 s3, s7;
	s7 =	simm.s32 @!p0 $0x108  }
0x21: {  	s3 =	sadd.s32 s3, s9;
	s6 =	sadd.s32 @!p0 $0x88, s6;
	s7 =	simm.s32 @p2 $0x1082  }
0x22: {  	[simem:s7], [sflag:s8] =	dma.local @!p0 [hbm:s6], $0xF7A  }
0x23: {  	s9 =	sor.u32 $0xD0000000, s2;
	s6 =	simm.s32 $0x108;
	_ =	swait.ge @!p0 [sflag:s8], $0x0  }
0x24: {  	s3 =	sadd.s32 $0x88, s3;
	s6 =	simm.s32 @!p1 $0x1082;
	[sflag:s4] =	ssyncset.s32 $0xFFFFF086  }
0x25: {  	[simem:s6], [sflag:s4] =	dma.local [hbm:s3], $0xF7A  }
0x26: {  	[smem:$0x3F9D] =	sst s1;
	(tag) =	ssettag s2;
	_ =	strace s9  }
0x27: {  	s1 =	sld [smem:$0x3FAD]  }
0x28: {  	s2 =	sld [smem:$0x3FAE]  }
0x29: {  	s4 =	sld [smem:$0x3FB0]  }
0x2a: {  	p0 =	seq.s32 s5, $0x0;
	s5 =	sld [smem:$0x3FB1]  }
0x2b: {  	s6 =	sld [smem:$0x3FB2]  }
0x2c: {  	s7 =	sld [smem:$0x3FB3]  }
0x2d: {  	s3 =	simm.s32 $0x108;
	s8 =	sld [smem:$0x3FB4]  }
0x2e: {  	s3 =	simm.s32 @!p0 $0x1082;
	s9 =	sld [smem:$0x3FB5]  }
0x2f: {  	lr =	sadd.s32 s0, s3;
	s0 =	sld [smem:$0x3FAC]  }
0x30: {  	s3 =	sld [smem:$0x3FAF]  }
0x31: {  	[smem:$0x3FB8] =	sst s10  }
0x32: {  	s10 =	sld [smem:$0x3FB6];
	_ =	sdelay $0x3  }
0x33: {  	p0 =	seq.s32 s10, $0x1;
	s10 =	sld [smem:$0x3FB8];
	_ =	sdelay $0x3  }
0x34: {  	[smem:$0x3FB8] =	sst s10  }
0x35: {  	s10 =	sld [smem:$0x3FB7];
	_ =	sdelay $0x3  }
0x36: {  	p1 =	seq.s32 s10, $0x1;
	s10 =	sld [smem:$0x3FB8];
	_ =	sdelay $0x3  }
0x37: {  	[smem:$0x3FB8] =	sst s10  }
0x38: {  	s10 =	sld [smem:$0x3FB9]  }
0x39: {  	_ = 	snop;
	(pc) =	sbr.ind lr, $3  }
0x3a: {  	_ = 	snop  }
0x3b: {  	_ = 	snop  }
0x3c: {  	p2 =	seq.s32 s10, $0x1;
	s10 =	sld [smem:$0x3FB8]  }
0x3d: {  	_ =	shalt  }
0x3e: {  	_ =	shalt  }
0x3f: {  	_ =	shalt  }
0x40: {  	_ =	shalt  }
0x41: {  	_ =	shalt  }
0x42: {  	_ =	shalt  }
0x43: {  	_ =	shalt  }
0x44: {  	_ =	shalt  }
0x45: {  	_ =	shalt  }
0x46: {  	_ =	shalt  }
0x47: {  	_ =	shalt  }
0x48: {  	_ =	shalt  }
0x49: {  	_ =	shalt  }
0x4a: {  	_ =	shalt  }
0x4b: {  	_ =	shalt  }
0x4c: {  	_ =	shalt  }
0x4d: {  	_ =	shalt  }
0x4e: {  	_ =	shalt  }
0x4f: {  	_ =	shalt  }
0x50: {  	_ =	shalt  }
0x51: {  	_ =	shalt  }
0x52: {  	_ =	shalt  }
0x53: {  	_ =	shalt  }
0x54: {  	_ =	shalt  }
0x55: {  	_ =	shalt  }
0x56: {  	_ =	shalt  }
0x57: {  	_ =	shalt  }
0x58: {  	_ =	shalt  }
0x59: {  	_ =	shalt  }
0x5a: {  	_ =	shalt  }
0x5b: {  	_ =	shalt  }
0x5c: {  	_ =	shalt  }
0x5d: {  	_ =	shalt  }
0x5e: {  	_ =	shalt  }
0x5f: {  	_ =	shalt  }
0x60: {  	_ =	shalt  }
0x61: {  	_ =	shalt  }
0x62: {  	_ =	shalt  }
0x63: {  	_ =	shalt  }
0x64: {  	_ =	shalt  }
0x65: {  	_ =	shalt  }
0x66: {  	_ =	shalt  }
0x67: {  	_ =	shalt  }
0x68: {  	_ =	shalt  }
0x69: {  	_ =	shalt  }
0x6a: {  	_ =	shalt  }
0x6b: {  	_ =	shalt  }
0x6c: {  	_ =	shalt  }
0x6d: {  	_ =	shalt  }
0x6e: {  	_ =	shalt  }
0x6f: {  	_ =	shalt  }
0x70: {  	_ =	shalt  }
0x71: {  	_ =	shalt  }
0x72: {  	_ =	shalt  }
0x73: {  	_ =	shalt  }
0x74: {  	_ =	shalt  }
0x75: {  	_ =	shalt  }
0x76: {  	_ =	shalt  }
0x77: {  	_ =	shalt  }
0x78: {  	_ =	shalt  }
0x79: {  	_ =	shalt  }
0x7a: {  	_ =	shalt  }
0x7b: {  	_ =	shalt  }
0x7c: {  	_ =	shalt  }
0x7d: {  	_ =	shalt  }
0x7e: {  	_ =	shalt  }
0x7f: {  	_ =	shalt  }
0x80: {  	_ =	shalt  }
0x81: {  	_ =	shalt  }
0x82: {  	_ =	shalt  }
0x83: {  	_ =	shalt  }
0x84: {  	_ =	shalt  }
0x85: {  	_ =	shalt  }
0x86: {  	_ =	shalt  }
0x87: {  	_ =	shalt  }
.Lfunc_end0:
.L_simem_size_0:
called_computation_lowered:
.L_overlay_start_0:
0x88: {  	s2 =	sld [smem:$0x3FD9]  }
0x89: {  	s3 =	sld [smem:$0x3FFE];
	_ =	sdelay $0x1  }
0x8a: {  	s1 =	srdreg.scid  }
0x8b: {  	s0 =	sand.u32 $0x1, s1  }
0x8c: {  	s16 =	sshll.u32 s0, $0xA;
	s2 =	sadd.s32 s3, s2  }
0x8d: {  	s2 =	sadd.s32 s2, s16  }
0x8e: {  	[smem:$0x3FC4] =	sst s2  }
0x8f: {  	_ = 	snop  }
0x90: {  	(tm) =	ssettm $0x1  }
0x91: {  	s17 =	sld [smem:$0x3FFB];
	_ =	sdelay $0x3  }
0x92: {  	_ =	strace s17  }
0x93: {  	s2 =	sld [smem:$0x3FFC];
	_ =	sdelay $0x3  }
0x94: {  	_ =	strace s2  }
0x95: {  	s2 =	sld [smem:$0x3FFD];
	_ =	sdelay $0x3  }
0x96: {  	_ =	strace s2  }
0x97: {  	_ =	strace $0x8FFFFFFF  }
0x98: {  	s18 =	sld [smem:$0x3FDB];
	_ =	sdelay $0x1  }
0x99: {  	s19 =	simm.s32 $_scs_section_size  }
0x9a: {  	s4 =	simm.s32 $_size__tile_overlayer_lowered;
	s5 =	simm.s32 $_tile_overlayer_lowered  }
0x9b: {  	s22 =	simm.s32 $0x1BFF;
	s21 =	sshll.u32 s5, $0x1;
	s2 =	sadd.s32 s19, s18  }
0x9c: {  	s6 =	simm.s32 $0x0;
	s20 =	sshll.u32 s4, $0x1;
	s4 =	sadd.s32 s21, s2  }
0x9d: {  	[timem:s6], [sflag:s22] =	dma.local [hbm:s4], s20  }
0x9e: {  	_ =	swait.ge [sflag:s22], s20  }
0x9f: {  	s3 =	ssub.s32 $0x0, s20;
	[sflag:s22] =	ssyncset.done $0x0  }
0xa0: {  	[sflag:s22] =	ssyncadd.s32 s3;
	_ =	sdelay $0x1  }
0xa1: {  	s23 =	simm.s32 $0x1B8B  }
0xa2: {  	_ =	swait.ge [sflag:s23], $0x1  }
0xa3: {  	[sflag:s23] =	ssyncset.done $0x0  }
0xa4: {  	s25 =	simm.s32 $0x1B8E;
	s24 =	sld [smem:$0x3FFE];
	[sflag:s23] =	ssyncadd.s32 $0xFFFFFFFF  }
0xa5: {  	s26 =	simm.s32 $execute0_lowered;
	[smem:$0x3FD2] =	sst s25  }
0xa6: {  	s4 =	sshll.u32 s26, $0x1;
	_ =	strace $0x80000046;
	[dreg:$0x1] =	wrdreg $0xFFFFFFFF  }
0xa7: {  	s28 =	simm.s32 $_size_execute0_lowered;
	s2 =	sadd.s32 s2, s4;
	[dreg:$0x0] =	wrdreg $0x0  }
0xa8: {  	s4 =	sshll.u32 s28, $0x1;
	[dreg:$0x2] =	wrdreg s2  }
0xa9: {  	[dreg:$0x3] =	wrdreg s4  }
0xaa: {  	[dreg:$0x4] =	wrdreg $0xC0  }
0xab: {  	_ =	task [dreg:s6], $0x5FFFF  }
0xac: {  	[dreg:$0x1] =	wrdreg $0xFFFFFFFF  }
0xad: {  	[dreg:$0x0] =	wrdreg $0x60  }
0xae: {  	[dreg:$0x2] =	wrdreg s24  }
0xaf: {  	[dreg:$0x3] =	wrdreg $0x9  }
0xb0: {  	_ =	task.clear_ibuf [dreg:s6], $0x4FFFF;
	_ =	strace $0x90000046  }
0xb1: {  	s29 =	simm.s32 $0x9;
	_ =	strace $0x80000048  }
0xb2: {  	_ =	swait.ge [sflag:s29], $0x1  }
0xb3: {  	[sflag:s29] =	ssyncadd.s32 $0xFFFFFFFF  }
0xb4: {  	_ =	strace $0x90000048  }
0xb5: {  	_ =	sfence  }
0xb6: {  	s30 =	sld [smem:$0x0];
	_ =	sdelay $0x2  }
0xb7: {  	s31 =	sshll.u32 s1, $0xD;
	s1 =	sshrl.u32 s1, $0x2  }
0xb8: {  	s3 =	sand.u32 $0x4000, s31;
	s1 =	sadd.s32 s1, s30  }
0xb9: {  	s0 =	sor.u32 s3, s0;
	s1 =	sshll.u32 s1, $0x11  }
0xba: {  	s0 =	sor.u32 s1, s0  }
0xbb: {  	s0 =	sadd.s32 $0x8F2B, s0  }
0xbc: {  	[sflag:s0] =	ssyncadd.remote.s32 $0x1  }
0xbd: {  	_ =	sfence.sel $0xFFFF  }
0xbe: {  	[dreg:$0x0] =	wrdreg $0xFFFFFFFF;
	(pc) =	sbr.abs _section_cstart, $3  }
0xbf: {  	[dreg:$0x1] =	wrdreg $0xFFFFFFFF  }
0xc0: {  	_ =	task.clear_ibuf [dreg:s6], $0x2FFFF;
	_ =	strace $0x9FFFFFFF  }
0xc1: {  	(tm) =	ssettm $0x7FFFFFFF  }
tec
execute0_lowered:
.L_overlay_start_1:
0x0: {  	(tag) =	ssettag $0x1  }
0x1: {  	s1 =	srdreg.scid;
	s0 =	stileid.u32  }
0x2: {  	s4 =	rddreg [dreg:$0x0];
	s2 =	simm.s32 $0x0;
	s9 =	simm.s32 $0x6400  }
0x3: {  	s10 =	simm.s32 $0x60;
	s11 =	simm.s32 $0x7E00;
	s12 =	simm.s32 $0xC8  }
0x4: {  	s13 =	simm.s32 $0x9800;
	s14 =	simm.s32 $0x130;
	s15 =	simm.s32 $0xB200  }
0x5: {  	s16 =	simm.s32 $0x1;
	s17 =	simm.s32 $0x2;
	s18 =	simm.s32 $0x3  }
0x6: {  	s19 =	simm.s32 $0x4;
	s20 =	simm.s32 $0xCC00;
	s21 =	simm.s32 $0x0  }
0x7: {  	s3 =	sand.u32 $0x1, s1;
	s5 =	sshll.u32 s0, $0x8;
	[smem:$0x7FF] =	sst s2  }
0x8: {  	s1 =	rddreg [dreg:$0x1];
	s6 =	sshll.u32 s3, $0x7;
	_ =	strace $0x80000047  }
.Ltmp0:
0x9: {  	s7 =	ssub.s32 $0x2, s3;
	s5 =	sor.u32 s6, s5;
	(pc) =	sbr.rel .LBB2_1-.Ltmp0, $4  }
0xa: {  	s8 =	sshrl.u32 s7, $0x1;
	s6 =	smul.u32 $0x19, s5;
	s5 =	sshll.u32 s5, $0x3  }
0xb: {  	s3 =	sadd.s32 $0xF42E00, s4;
	s7 =	ssub.s32 s7, s8;
	s5 =	sadd.s32 s5, s4  }
0xc: {  	s8 =	simm.s32 $0x68;
	s6 =	sadd.s32 s6, s4;
	s5 =	sadd.s32 $0x19A00, s5  }
0xd: {  	s4 =	sadd.s32 $0xA00, s6;
	s6 =	smax.u32 s7, $0x1;
	s7 =	simm.s32 $0x5  }
.LBB2_12:
0xe: {  	[tilespmem:s23+$0xCC40] =	vst v3  }
0xf: {  	[tilespmem:s23+$0xCC50] =	vst v2;
	s21 =	sadd.s32 $0x1, s21  }
0x10: {  	[tilespmem:s23+$0xCC60] =	vst v1;
	p0 =	sne.s32 s21, s6  }
.Ltmp1:
0x11: {  	[tilespmem:s23+$0xCC70] =	vst v0;
	(pc) =	sbr.rel @!p0 .LBB2_13-.Ltmp1, $4  }
0x12: {  	[hbm4b:s5+s2] =	stream.linear.scatter [tilespmem:s20], [sflag:$0x5], $0x2000, $0x38;
	[tilespmem:$0xEC00] =	vst v63  }
0x13: {  	_ =	swait.ge [sflag:s7], $0x2000  }
0x14: {  	[sflag:s7] =	ssyncset.done $0x0  }
0x15: {  	[sflag:s7] =	ssyncadd.s32 $0xFFFFE000  }
.LBB2_1:
0x16: {  	[tilespmem:s2], [sflag:$0x5] =	stream.linear.gather [hbm4b:s4+s2], $0x6400, $0x38;
	[tilespmem:$0xEC00] =	vst v63  }
0x17: {  	_ =	swait.ge [sflag:s7], $0x6400  }
0x18: {  	[sflag:s7] =	ssyncset.done $0x0  }
0x19: {  	[sflag:s7] =	ssyncadd.s32 $0xFFFF9C00  }
0x1a: {  	[tilespmem:s9], [sflag:$0x1] =	stream.indirect.gather [hbm4b:s3+s8], $0x40, s2, s8, $0xb8;
	[tilespmem:$0xEC00] =	vst v63  }
0x1b: {  	_ = 	snop  }
0x1c: {  	[tilespmem:s11], [sflag:$0x2] =	stream.indirect.gather [hbm4b:s3+s10], $0x40, s8, s10, $0xb8;
	[tilespmem:$0xEC00] =	vst v63  }
0x1d: {  	_ = 	snop  }
0x1e: {  	[tilespmem:s13], [sflag:$0x3] =	stream.indirect.gather [hbm4b:s3+s8], $0x40, s12, s8, $0xb8;
	[tilespmem:$0xEC00] =	vst v63  }
0x1f: {  	s22 =	simm.s32 $0x0  }
0x20: {  	[tilespmem:s15], [sflag:$0x4] =	stream.indirect.gather [hbm4b:s3+s10], $0x40, s14, s10, $0xb8;
	[tilespmem:$0xEC00] =	vst v63  }
.LBB2_2:
0x21: {  	_ =	swait.ge [sflag:s16], $0x1A00  }
0x22: {  	[sflag:s16] =	ssyncset.done $0x0  }
0x23: {  	[sflag:s16] =	ssyncadd.s32 $0xFFFFE600  }
0x24: {  	_ =	swait.ge [sflag:s17], $0x1800  }
0x25: {  	[sflag:s17] =	ssyncset.done $0x0  }
0x26: {  	s23 =	simm.s32 $0x0;
	[sflag:s17] =	ssyncadd.s32 $0xFFFFE800  }
0x27: {  	v4 =	vld [tilespmem:s23+$0x65C0]  }
0x28: {  	v5 =	vld [tilespmem:s23+$0x65D0]  }
0x29: {  	v6 =	vld [tilespmem:s23+$0x6580]  }
0x2a: {  	v7 =	vld [tilespmem:s23+$0x6590]  }
0x2b: {  	v10 =	vld [tilespmem:s23+$0x6540]  }
0x2c: {  	v11 =	vld [tilespmem:s23+$0x6550]  }
0x2d: {  	v14 =	vld [tilespmem:s23+$0x6500]  }
0x2e: {  	v15 =	vld [tilespmem:s23+$0x6510]  }
0x2f: {  	v13 =	vld [tilespmem:s23+$0x64C0]  }
0x30: {  	v16 =	vld [tilespmem:s23+$0x64D0]  }
0x31: {  	v9 =	vld [tilespmem:s23+$0x6480]  }
0x32: {  	v12 =	vld [tilespmem:s23+$0x6490]  }
0x33: {  	v17 =	vld [tilespmem:s23+$0x6440]  }
0x34: {  	v18 =	vld [tilespmem:s23+$0x6450]  }
0x35: {  	v19 =	vld [tilespmem:s23+$0x6400]  }
0x36: {  	v1 =	vimm.f32 $0.0e+00;
	v21 =	vld [tilespmem:s23+$0x6410]  }
0x37: {  	s24 =	simm.s32 $0x800;
	v8 =	vimm.f32 $0.0e+00;
	v2 =	vimm.f32 $0.0e+00;
	v3 =	vimm.f32 $0.0e+00;
	v20 =	vld [tilespmem:s23+$0x6420]  }
.LBB2_3:
0x38: {  	p0 =	sne.s32 s24, $0x6000;
	v0 =	vld [tilespmem:s23+$0x6430]  }
0x39: {  	v22 =	vld [tilespmem:s23+$0x6460]  }
0x3a: {  	v23 =	vld [tilespmem:s23+$0x6470]  }
0x3b: {  	v24 =	vld [tilespmem:s23+$0x64A0]  }
0x3c: {  	v1 =	vadd.f32 v19, v1;
	v8 =	vadd.f32 v21, v8;
	v19 =	vld [tilespmem:s23+$0x64B0]  }
0x3d: {  	v2 =	vadd.f32 v20, v2;
	v0 =	vadd.f32 v0, v3;
	v3 =	vld [tilespmem:s23+$0x64E0]  }
0x3e: {  	v1 =	vadd.f32 v17, v1;
	v8 =	vadd.f32 v18, v8;
	v17 =	vld [tilespmem:s23+$0x64F0]  }
0x3f: {  	v2 =	vadd.f32 v22, v2;
	v0 =	vadd.f32 v23, v0;
	v18 =	vld [tilespmem:s23+$0x6520]  }
0x40: {  	v1 =	vadd.f32 v9, v1;
	v8 =	vadd.f32 v12, v8;
	v9 =	vld [tilespmem:s23+$0x6530]  }
0x41: {  	v2 =	vadd.f32 v24, v2;
	v0 =	vadd.f32 v19, v0;
	v12 =	vld [tilespmem:s23+$0x6560]  }
0x42: {  	v1 =	vadd.f32 v13, v1;
	v8 =	vadd.f32 v16, v8;
	v13 =	vld [tilespmem:s23+$0x6570]  }
0x43: {  	v2 =	vadd.f32 v3, v2;
	v0 =	vadd.f32 v17, v0;
	v3 =	vld [tilespmem:s23+$0x65A0]  }
0x44: {  	v1 =	vadd.f32 v14, v1;
	v8 =	vadd.f32 v15, v8;
	v14 =	vld [tilespmem:s23+$0x65B0]  }
0x45: {  	v2 =	vadd.f32 v18, v2;
	v0 =	vadd.f32 v9, v0;
	v9 =	vld [tilespmem:s23+$0x65E0]  }
0x46: {  	v1 =	vadd.f32 v10, v1;
	v8 =	vadd.f32 v11, v8;
	v11 =	vld [tilespmem:s23+$0x65F0];
	s23 =	sshra.s32 s24, $0x2  }
0x47: {  	v2 =	vadd.f32 v12, v2;
	v15 =	vld [tilespmem:s23+$0x65C0];
	v0 =	vadd.f32 v13, v0  }
0x48: {  	v1 =	vadd.f32 v6, v1;
	v8 =	vadd.f32 v7, v8;
	v12 =	vld [tilespmem:s23+$0x65D0]  }
0x49: {  	v2 =	vadd.f32 v3, v2;
	v6 =	vld [tilespmem:s23+$0x6580];
	v0 =	vadd.f32 v14, v0  }
0x4a: {  	v1 =	vadd.f32 v4, v1;
	v8 =	vadd.f32 v5, v8;
	v7 =	vld [tilespmem:s23+$0x6590]  }
0x4b: {  	v2 =	vadd.f32 v9, v2;
	v10 =	vld [tilespmem:s23+$0x6540];
	v3 =	vadd.f32 v11, v0  }
0x4c: {  	v11 =	vld [tilespmem:s23+$0x6550];
	v4 =	vmov v15  }
0x4d: {  	v14 =	vld [tilespmem:s23+$0x6500];
	v5 =	vmov v12  }
0x4e: {  	v15 =	vld [tilespmem:s23+$0x6510]  }
0x4f: {  	v13 =	vld [tilespmem:s23+$0x64C0]  }
0x50: {  	v16 =	vld [tilespmem:s23+$0x64D0]  }
0x51: {  	v9 =	vld [tilespmem:s23+$0x6480]  }
0x52: {  	v12 =	vld [tilespmem:s23+$0x6490]  }
.Ltmp2:
0x53: {  	v17 =	vld [tilespmem:s23+$0x6440];
	(pc) =	sbr.rel @p0 .LBB2_3-.Ltmp2, $4  }
0x54: {  	v18 =	vld [tilespmem:s23+$0x6450]  }
0x55: {  	v19 =	vld [tilespmem:s23+$0x6400]  }
0x56: {  	v21 =	vld [tilespmem:s23+$0x6410]  }
0x57: {  	s24 =	sadd.s32 $0x800, s24;
	v20 =	vld [tilespmem:s23+$0x6420]  }
0x58: {  	v22 =	vld [tilespmem:s23+$0x6430]  }
0x59: {  	v23 =	vld [tilespmem:s23+$0x6460]  }
0x5a: {  	v24 =	vld [tilespmem:s23+$0x6470]  }
0x5b: {  	v25 =	vld [tilespmem:s23+$0x64A0]  }
0x5c: {  	v26 =	vld [tilespmem:s23+$0x64B0]  }
0x5d: {  	v27 =	vld [tilespmem:s23+$0x64E0]  }
0x5e: {  	v28 =	vld [tilespmem:s23+$0x64F0]  }
0x5f: {  	v29 =	vld [tilespmem:s23+$0x6520]  }
0x60: {  	v30 =	vld [tilespmem:s23+$0x6530]  }
0x61: {  	v31 =	vld [tilespmem:s23+$0x6560]  }
0x62: {  	v32 =	vld [tilespmem:s23+$0x6570]  }
0x63: {  	v33 =	vld [tilespmem:s23+$0x65A0]  }
0x64: {  	v34 =	vld [tilespmem:s23+$0x65B0]  }
0x65: {  	v35 =	vld [tilespmem:s23+$0x65E0]  }
0x66: {  	v36 =	vld [tilespmem:s23+$0x65F0];
	s23 =	simm.s32 $0x0  }
0x67: {  	v0 =	vld [tilespmem:s23+$0x7FC0]  }
0x68: {  	v19 =	vadd.f32 v19, v1;
	v1 =	vld [tilespmem:s23+$0x7FD0];
	v8 =	vadd.f32 v21, v8  }
0x69: {  	v20 =	vadd.f32 v20, v2;
	v2 =	vld [tilespmem:s23+$0x7F80];
	v21 =	vadd.f32 v22, v3  }
0x6a: {  	v17 =	vadd.f32 v17, v19;
	v18 =	vadd.f32 v18, v8;
	v3 =	vld [tilespmem:s23+$0x7F90]  }
0x6b: {  	v8 =	vld [tilespmem:s23+$0x7F40];
	v19 =	vadd.f32 v23, v20;
	v20 =	vadd.f32 v24, v21  }
0x6c: {  	v17 =	vadd.f32 v9, v17;
	v9 =	vld [tilespmem:s23+$0x7F50];
	v18 =	vadd.f32 v12, v18  }
0x6d: {  	v12 =	vld [tilespmem:s23+$0x7F00];
	v19 =	vadd.f32 v25, v19;
	v20 =	vadd.f32 v26, v20  }
0x6e: {  	v17 =	vadd.f32 v13, v17;
	v13 =	vld [tilespmem:s23+$0x7F10];
	v18 =	vadd.f32 v16, v18  }
0x6f: {  	v16 =	vld [tilespmem:s23+$0x7EC0];
	v19 =	vadd.f32 v27, v19;
	v20 =	vadd.f32 v28, v20  }
0x70: {  	v17 =	vadd.f32 v14, v17;
	v14 =	vld [tilespmem:s23+$0x7ED0];
	v18 =	vadd.f32 v15, v18  }
0x71: {  	v15 =	vld [tilespmem:s23+$0x7E80];
	v19 =	vadd.f32 v29, v19;
	v20 =	vadd.f32 v30, v20  }
0x72: {  	v17 =	vadd.f32 v10, v17;
	v10 =	vld [tilespmem:s23+$0x7E90];
	v18 =	vadd.f32 v11, v18  }
0x73: {  	v11 =	vld [tilespmem:s23+$0x7E40];
	v19 =	vadd.f32 v31, v19;
	v20 =	vadd.f32 v32, v20  }
0x74: {  	v6 =	vadd.f32 v6, v17;
	v17 =	vld [tilespmem:s23+$0x7E50];
	v21 =	vadd.f32 v7, v18  }
0x75: {  	v18 =	vld [tilespmem:s23+$0x7E00];
	v22 =	vadd.f32 v33, v19;
	v20 =	vadd.f32 v34, v20  }
0x76: {  	v7 =	vadd.f32 v4, v6;
	v19 =	vld [tilespmem:s23+$0x7E10];
	v5 =	vadd.f32 v5, v21  }
0x77: {  	s24 =	simm.s32 $0x800;
	v6 =	vadd.f32 v35, v22;
	v4 =	vadd.f32 v36, v20;
	v20 =	vld [tilespmem:s23+$0x7E20]  }
.LBB2_5:
0x78: {  	p0 =	sne.s32 s24, $0x5800;
	v21 =	vld [tilespmem:s23+$0x7E30]  }
0x79: {  	v22 =	vld [tilespmem:s23+$0x7E60]  }
0x7a: {  	v23 =	vld [tilespmem:s23+$0x7E70]  }
0x7b: {  	v24 =	vld [tilespmem:s23+$0x7EA0]  }
0x7c: {  	v7 =	vadd.f32 v18, v7;
	v5 =	vadd.f32 v19, v5;
	v18 =	vld [tilespmem:s23+$0x7EB0]  }
0x7d: {  	v6 =	vadd.f32 v20, v6;
	v4 =	vadd.f32 v21, v4;
	v19 =	vld [tilespmem:s23+$0x7EE0]  }
0x7e: {  	v7 =	vadd.f32 v11, v7;
	v5 =	vadd.f32 v17, v5;
	v11 =	vld [tilespmem:s23+$0x7EF0]  }
0x7f: {  	v6 =	vadd.f32 v22, v6;
	v4 =	vadd.f32 v23, v4;
	v17 =	vld [tilespmem:s23+$0x7F20]  }
0x80: {  	v7 =	vadd.f32 v15, v7;
	v5 =	vadd.f32 v10, v5;
	v10 =	vld [tilespmem:s23+$0x7F30]  }
0x81: {  	v6 =	vadd.f32 v24, v6;
	v4 =	vadd.f32 v18, v4;
	v15 =	vld [tilespmem:s23+$0x7F60]  }
0x82: {  	v7 =	vadd.f32 v16, v7;
	v5 =	vadd.f32 v14, v5;
	v14 =	vld [tilespmem:s23+$0x7F70]  }
0x83: {  	v6 =	vadd.f32 v19, v6;
	v4 =	vadd.f32 v11, v4;
	v11 =	vld [tilespmem:s23+$0x7FA0]  }
0x84: {  	v7 =	vadd.f32 v12, v7;
	v5 =	vadd.f32 v13, v5;
	v12 =	vld [tilespmem:s23+$0x7FB0]  }
0x85: {  	v6 =	vadd.f32 v17, v6;
	v4 =	vadd.f32 v10, v4;
	v10 =	vld [tilespmem:s23+$0x7FE0]  }
0x86: {  	v7 =	vadd.f32 v8, v7;
	v5 =	vadd.f32 v9, v5;
	v9 =	vld [tilespmem:s23+$0x7FF0];
	s23 =	sshra.s32 s24, $0x2  }
0x87: {  	v6 =	vadd.f32 v15, v6;
	v13 =	vld [tilespmem:s23+$0x7FC0];
	v4 =	vadd.f32 v14, v4  }
0x88: {  	v7 =	vadd.f32 v2, v7;
	v5 =	vadd.f32 v3, v5;
	v14 =	vld [tilespmem:s23+$0x7FD0]  }
0x89: {  	v6 =	vadd.f32 v11, v6;
	v2 =	vld [tilespmem:s23+$0x7F80];
	v4 =	vadd.f32 v12, v4  }
0x8a: {  	v7 =	vadd.f32 v0, v7;
	v5 =	vadd.f32 v1, v5;
	v3 =	vld [tilespmem:s23+$0x7F90]  }
0x8b: {  	v6 =	vadd.f32 v10, v6;
	v8 =	vld [tilespmem:s23+$0x7F40];
	v4 =	vadd.f32 v9, v4  }
0x8c: {  	v9 =	vld [tilespmem:s23+$0x7F50];
	v0 =	vmov v13  }
0x8d: {  	v12 =	vld [tilespmem:s23+$0x7F00];
	v1 =	vmov v14  }
0x8e: {  	v13 =	vld [tilespmem:s23+$0x7F10]  }
0x8f: {  	v16 =	vld [tilespmem:s23+$0x7EC0]  }
0x90: {  	v14 =	vld [tilespmem:s23+$0x7ED0]  }
0x91: {  	v15 =	vld [tilespmem:s23+$0x7E80]  }
0x92: {  	v10 =	vld [tilespmem:s23+$0x7E90]  }
.Ltmp3:
0x93: {  	v11 =	vld [tilespmem:s23+$0x7E40];
	(pc) =	sbr.rel @p0 .LBB2_5-.Ltmp3, $4  }
0x94: {  	v17 =	vld [tilespmem:s23+$0x7E50]  }
0x95: {  	v18 =	vld [tilespmem:s23+$0x7E00]  }
0x96: {  	v19 =	vld [tilespmem:s23+$0x7E10]  }
0x97: {  	s24 =	sadd.s32 $0x800, s24;
	v20 =	vld [tilespmem:s23+$0x7E20]  }
0x98: {  	v21 =	vld [tilespmem:s23+$0x7E30]  }
0x99: {  	v22 =	vld [tilespmem:s23+$0x7E60]  }
0x9a: {  	v23 =	vld [tilespmem:s23+$0x7E70]  }
0x9b: {  	v24 =	vld [tilespmem:s23+$0x7EA0];
	v7 =	vadd.f32 v18, v7  }
0x9c: {  	v18 =	vld [tilespmem:s23+$0x7EB0];
	v5 =	vadd.f32 v19, v5  }
0x9d: {  	v19 =	vld [tilespmem:s23+$0x7EE0];
	v6 =	vadd.f32 v20, v6;
	v7 =	vadd.f32 v11, v7  }
0x9e: {  	v11 =	vld [tilespmem:s23+$0x7EF0];
	v4 =	vadd.f32 v21, v4;
	v5 =	vadd.f32 v17, v5  }
0x9f: {  	v17 =	vld [tilespmem:s23+$0x7F20];
	v6 =	vadd.f32 v22, v6;
	v7 =	vadd.f32 v15, v7  }
0xa0: {  	v15 =	vld [tilespmem:s23+$0x7F30];
	v4 =	vadd.f32 v23, v4;
	v5 =	vadd.f32 v10, v5  }
0xa1: {  	v10 =	vld [tilespmem:s23+$0x7F60];
	v6 =	vadd.f32 v24, v6;
	v7 =	vadd.f32 v16, v7  }
0xa2: {  	p0 =	seq.s32 s22, $0x3F;
	v16 =	vld [tilespmem:s23+$0x7F70];
	v4 =	vadd.f32 v18, v4;
	v5 =	vadd.f32 v14, v5  }
0xa3: {  	s24 =	smul.u32 @!p0 $0x640, s22;
	v14 =	vld [tilespmem:s23+$0x7FA0];
	v6 =	vadd.f32 v19, v6;
	v7 =	vadd.f32 v12, v7  }
0xa4: {  	v12 =	vld [tilespmem:s23+$0x7FB0];
	v4 =	vadd.f32 v11, v4;
	v5 =	vadd.f32 v13, v5  }
0xa5: {  	s31 =	sshll.u32 s22, $0x7;
	s24 =	sshra.s32 @!p0 s24, $0x2;
	v11 =	vld [tilespmem:s23+$0x7FE0];
	v6 =	vadd.f32 v17, v6;
	v7 =	vadd.f32 v8, v7  }
0xa6: {  	s25 =	simm.s32 @!p0 $0x68;
	s26 =	simm.s32 @!p0 $0x6400;
	v8 =	vld [tilespmem:s23+$0x7FF0];
	s23 =	sadd.s32 @!p0 $0x190, s24;
	v4 =	vadd.f32 v15, v4;
	v5 =	vadd.f32 v9, v5  }
0xa7: {  	[tilespmem:s26], [sflag:$0x1] =	stream.indirect.gather @!p0 [hbm4b:s3+s25], $0x40, s23, s25, $0xb8;
	v6 =	vadd.f32 v10, v6;
	v2 =	vadd.f32 v2, v7;
	[tilespmem:$0xEC00] =	vst v63  }
0xa8: {  	s23 =	sadd.s32 @!p0 $0x1F8, s24;
	s24 =	simm.s32 @!p0 $0x60;
	s25 =	simm.s32 @!p0 $0x7E00;
	v4 =	vadd.f32 v16, v4;
	v3 =	vadd.f32 v3, v5  }
0xa9: {  	[tilespmem:s25], [sflag:$0x2] =	stream.indirect.gather @!p0 [hbm4b:s3+s24], $0x40, s23, s24, $0xb8;
	v5 =	vadd.f32 v14, v6;
	v0 =	vadd.f32 v0, v2;
	[tilespmem:$0xEC00] =	vst v63  }
0xaa: {  	s23 =	sand.u32 $0x3FFFFF80, s31;
	v2 =	vadd.f32 v12, v4;
	v1 =	vadd.f32 v1, v3  }
0xab: {  	v3 =	vadd.f32 v11, v5;
	[tilespmem:s23+$0xCC00] =	vst v0  }
0xac: {  	v0 =	vadd.f32 v8, v2;
	[tilespmem:s23+$0xCC10] =	vst v1  }
0xad: {  	[tilespmem:s23+$0xCC20] =	vst v3  }
0xae: {  	[tilespmem:s23+$0xCC30] =	vst v0  }
0xaf: {  	_ =	swait.ge [sflag:s18], $0x1A00  }
0xb0: {  	[sflag:s18] =	ssyncset.done $0x0  }
0xb1: {  	[sflag:s18] =	ssyncadd.s32 $0xFFFFE600  }
0xb2: {  	_ =	swait.ge [sflag:s19], $0x1800  }
0xb3: {  	[sflag:s19] =	ssyncset.done $0x0  }
0xb4: {  	s24 =	simm.s32 $0x0;
	[sflag:s19] =	ssyncadd.s32 $0xFFFFE800  }
0xb5: {  	v4 =	vld [tilespmem:s24+$0x99C0]  }
0xb6: {  	v5 =	vld [tilespmem:s24+$0x99D0]  }
0xb7: {  	v6 =	vld [tilespmem:s24+$0x9980]  }
0xb8: {  	v7 =	vld [tilespmem:s24+$0x9990]  }
0xb9: {  	v10 =	vld [tilespmem:s24+$0x9940]  }
0xba: {  	v11 =	vld [tilespmem:s24+$0x9950]  }
0xbb: {  	v13 =	vld [tilespmem:s24+$0x9900]  }
0xbc: {  	v15 =	vld [tilespmem:s24+$0x9910]  }
0xbd: {  	v14 =	vld [tilespmem:s24+$0x98C0]  }
0xbe: {  	v16 =	vld [tilespmem:s24+$0x98D0]  }
0xbf: {  	v9 =	vld [tilespmem:s24+$0x9880]  }
0xc0: {  	v12 =	vld [tilespmem:s24+$0x9890]  }
0xc1: {  	v17 =	vld [tilespmem:s24+$0x9840]  }
0xc2: {  	v18 =	vld [tilespmem:s24+$0x9850]  }
0xc3: {  	v19 =	vld [tilespmem:s24+$0x9800]  }
0xc4: {  	v1 =	vimm.f32 $0.0e+00;
	v21 =	vld [tilespmem:s24+$0x9810]  }
0xc5: {  	s25 =	simm.s32 $0x800;
	v8 =	vimm.f32 $0.0e+00;
	v2 =	vimm.f32 $0.0e+00;
	v3 =	vimm.f32 $0.0e+00;
	v20 =	vld [tilespmem:s24+$0x9820]  }
.LBB2_7:
0xc6: {  	p1 =	sne.s32 s25, $0x6000;
	v0 =	vld [tilespmem:s24+$0x9830]  }
0xc7: {  	v22 =	vld [tilespmem:s24+$0x9860]  }
0xc8: {  	v23 =	vld [tilespmem:s24+$0x9870]  }
0xc9: {  	v24 =	vld [tilespmem:s24+$0x98A0]  }
0xca: {  	v1 =	vadd.f32 v19, v1;
	v8 =	vadd.f32 v21, v8;
	v19 =	vld [tilespmem:s24+$0x98B0]  }
0xcb: {  	v2 =	vadd.f32 v20, v2;
	v0 =	vadd.f32 v0, v3;
	v3 =	vld [tilespmem:s24+$0x98E0]  }
0xcc: {  	v1 =	vadd.f32 v17, v1;
	v8 =	vadd.f32 v18, v8;
	v17 =	vld [tilespmem:s24+$0x98F0]  }
0xcd: {  	v2 =	vadd.f32 v22, v2;
	v0 =	vadd.f32 v23, v0;
	v18 =	vld [tilespmem:s24+$0x9920]  }
0xce: {  	v1 =	vadd.f32 v9, v1;
	v8 =	vadd.f32 v12, v8;
	v9 =	vld [tilespmem:s24+$0x9930]  }
0xcf: {  	v2 =	vadd.f32 v24, v2;
	v0 =	vadd.f32 v19, v0;
	v12 =	vld [tilespmem:s24+$0x9960]  }
0xd0: {  	v1 =	vadd.f32 v14, v1;
	v8 =	vadd.f32 v16, v8;
	v14 =	vld [tilespmem:s24+$0x9970]  }
0xd1: {  	v2 =	vadd.f32 v3, v2;
	v0 =	vadd.f32 v17, v0;
	v3 =	vld [tilespmem:s24+$0x99A0]  }
0xd2: {  	v1 =	vadd.f32 v13, v1;
	v8 =	vadd.f32 v15, v8;
	v13 =	vld [tilespmem:s24+$0x99B0]  }
0xd3: {  	v2 =	vadd.f32 v18, v2;
	v0 =	vadd.f32 v9, v0;
	v9 =	vld [tilespmem:s24+$0x99E0]  }
0xd4: {  	v1 =	vadd.f32 v10, v1;
	v8 =	vadd.f32 v11, v8;
	v11 =	vld [tilespmem:s24+$0x99F0];
	s24 =	sshra.s32 s25, $0x2  }
0xd5: {  	v2 =	vadd.f32 v12, v2;
	v15 =	vld [tilespmem:s24+$0x99C0];
	v0 =	vadd.f32 v14, v0  }
0xd6: {  	v1 =	vadd.f32 v6, v1;
	v8 =	vadd.f32 v7, v8;
	v12 =	vld [tilespmem:s24+$0x99D0]  }
0xd7: {  	v2 =	vadd.f32 v3, v2;
	v6 =	vld [tilespmem:s24+$0x9980];
	v0 =	vadd.f32 v13, v0  }
0xd8: {  	v1 =	vadd.f32 v4, v1;
	v8 =	vadd.f32 v5, v8;
	v7 =	vld [tilespmem:s24+$0x9990]  }
0xd9: {  	v2 =	vadd.f32 v9, v2;
	v10 =	vld [tilespmem:s24+$0x9940];
	v3 =	vadd.f32 v11, v0  }
0xda: {  	v11 =	vld [tilespmem:s24+$0x9950];
	v4 =	vmov v15  }
0xdb: {  	v13 =	vld [tilespmem:s24+$0x9900];
	v5 =	vmov v12  }
0xdc: {  	v15 =	vld [tilespmem:s24+$0x9910]  }
0xdd: {  	v14 =	vld [tilespmem:s24+$0x98C0]  }
0xde: {  	v16 =	vld [tilespmem:s24+$0x98D0]  }
0xdf: {  	v9 =	vld [tilespmem:s24+$0x9880]  }
0xe0: {  	v12 =	vld [tilespmem:s24+$0x9890]  }
.Ltmp4:
0xe1: {  	v17 =	vld [tilespmem:s24+$0x9840];
	(pc) =	sbr.rel @p1 .LBB2_7-.Ltmp4, $4  }
0xe2: {  	v18 =	vld [tilespmem:s24+$0x9850]  }
0xe3: {  	v19 =	vld [tilespmem:s24+$0x9800]  }
0xe4: {  	v21 =	vld [tilespmem:s24+$0x9810]  }
0xe5: {  	s25 =	sadd.s32 $0x800, s25;
	v20 =	vld [tilespmem:s24+$0x9820]  }
0xe6: {  	v22 =	vld [tilespmem:s24+$0x9830]  }
0xe7: {  	v23 =	vld [tilespmem:s24+$0x9860]  }
0xe8: {  	v24 =	vld [tilespmem:s24+$0x9870]  }
0xe9: {  	v25 =	vld [tilespmem:s24+$0x98A0]  }
0xea: {  	v26 =	vld [tilespmem:s24+$0x98B0]  }
0xeb: {  	v27 =	vld [tilespmem:s24+$0x98E0]  }
0xec: {  	v28 =	vld [tilespmem:s24+$0x98F0]  }
0xed: {  	v29 =	vld [tilespmem:s24+$0x9920]  }
0xee: {  	v30 =	vld [tilespmem:s24+$0x9930]  }
0xef: {  	v31 =	vld [tilespmem:s24+$0x9960]  }
0xf0: {  	v32 =	vld [tilespmem:s24+$0x9970]  }
0xf1: {  	v33 =	vld [tilespmem:s24+$0x99A0]  }
0xf2: {  	v34 =	vld [tilespmem:s24+$0x99B0]  }
0xf3: {  	v35 =	vld [tilespmem:s24+$0x99E0]  }
0xf4: {  	v36 =	vld [tilespmem:s24+$0x99F0];
	s24 =	simm.s32 $0x0  }
0xf5: {  	v0 =	vld [tilespmem:s24+$0xB3C0]  }
0xf6: {  	v19 =	vadd.f32 v19, v1;
	v1 =	vld [tilespmem:s24+$0xB3D0];
	v8 =	vadd.f32 v21, v8  }
0xf7: {  	v20 =	vadd.f32 v20, v2;
	v2 =	vld [tilespmem:s24+$0xB380];
	v21 =	vadd.f32 v22, v3  }
0xf8: {  	v17 =	vadd.f32 v17, v19;
	v18 =	vadd.f32 v18, v8;
	v3 =	vld [tilespmem:s24+$0xB390]  }
0xf9: {  	v8 =	vld [tilespmem:s24+$0xB340];
	v19 =	vadd.f32 v23, v20;
	v20 =	vadd.f32 v24, v21  }
0xfa: {  	v17 =	vadd.f32 v9, v17;
	v9 =	vld [tilespmem:s24+$0xB350];
	v18 =	vadd.f32 v12, v18  }
0xfb: {  	v12 =	vld [tilespmem:s24+$0xB300];
	v19 =	vadd.f32 v25, v19;
	v20 =	vadd.f32 v26, v20  }
0xfc: {  	v17 =	vadd.f32 v14, v17;
	v14 =	vld [tilespmem:s24+$0xB310];
	v18 =	vadd.f32 v16, v18  }
0xfd: {  	v16 =	vld [tilespmem:s24+$0xB2C0];
	v19 =	vadd.f32 v27, v19;
	v20 =	vadd.f32 v28, v20  }
0xfe: {  	v17 =	vadd.f32 v13, v17;
	v13 =	vld [tilespmem:s24+$0xB2D0];
	v18 =	vadd.f32 v15, v18  }
0xff: {  	v15 =	vld [tilespmem:s24+$0xB280];
	v19 =	vadd.f32 v29, v19;
	v20 =	vadd.f32 v30, v20  }
0x100: {  	v17 =	vadd.f32 v10, v17;
	v10 =	vld [tilespmem:s24+$0xB290];
	v18 =	vadd.f32 v11, v18  }
0x101: {  	v11 =	vld [tilespmem:s24+$0xB240];
	v19 =	vadd.f32 v31, v19;
	v20 =	vadd.f32 v32, v20  }
0x102: {  	v6 =	vadd.f32 v6, v17;
	v17 =	vld [tilespmem:s24+$0xB250];
	v7 =	vadd.f32 v7, v18  }
0x103: {  	v18 =	vld [tilespmem:s24+$0xB200];
	v21 =	vadd.f32 v33, v19;
	v20 =	vadd.f32 v34, v20  }
0x104: {  	v4 =	vadd.f32 v4, v6;
	v19 =	vld [tilespmem:s24+$0xB210];
	v5 =	vadd.f32 v5, v7  }
0x105: {  	s25 =	simm.s32 $0x800;
	v6 =	vadd.f32 v35, v21;
	v7 =	vadd.f32 v36, v20;
	v20 =	vld [tilespmem:s24+$0xB220]  }
.LBB2_9:
0x106: {  	p1 =	sne.s32 s25, $0x5800;
	v21 =	vld [tilespmem:s24+$0xB230]  }
0x107: {  	v22 =	vld [tilespmem:s24+$0xB260]  }
0x108: {  	v23 =	vld [tilespmem:s24+$0xB270]  }
0x109: {  	v24 =	vld [tilespmem:s24+$0xB2A0]  }
0x10a: {  	v4 =	vadd.f32 v18, v4;
	v5 =	vadd.f32 v19, v5;
	v18 =	vld [tilespmem:s24+$0xB2B0]  }
0x10b: {  	v6 =	vadd.f32 v20, v6;
	v7 =	vadd.f32 v21, v7;
	v19 =	vld [tilespmem:s24+$0xB2E0]  }
0x10c: {  	v4 =	vadd.f32 v11, v4;
	v5 =	vadd.f32 v17, v5;
	v11 =	vld [tilespmem:s24+$0xB2F0]  }
0x10d: {  	v6 =	vadd.f32 v22, v6;
	v7 =	vadd.f32 v23, v7;
	v17 =	vld [tilespmem:s24+$0xB320]  }
0x10e: {  	v4 =	vadd.f32 v15, v4;
	v5 =	vadd.f32 v10, v5;
	v10 =	vld [tilespmem:s24+$0xB330]  }
0x10f: {  	v6 =	vadd.f32 v24, v6;
	v7 =	vadd.f32 v18, v7;
	v15 =	vld [tilespmem:s24+$0xB360]  }
0x110: {  	v4 =	vadd.f32 v16, v4;
	v5 =	vadd.f32 v13, v5;
	v13 =	vld [tilespmem:s24+$0xB370]  }
0x111: {  	v6 =	vadd.f32 v19, v6;
	v7 =	vadd.f32 v11, v7;
	v11 =	vld [tilespmem:s24+$0xB3A0]  }
0x112: {  	v4 =	vadd.f32 v12, v4;
	v5 =	vadd.f32 v14, v5;
	v12 =	vld [tilespmem:s24+$0xB3B0]  }
0x113: {  	v6 =	vadd.f32 v17, v6;
	v7 =	vadd.f32 v10, v7;
	v10 =	vld [tilespmem:s24+$0xB3E0]  }
0x114: {  	v4 =	vadd.f32 v8, v4;
	v5 =	vadd.f32 v9, v5;
	v9 =	vld [tilespmem:s24+$0xB3F0];
	s24 =	sshra.s32 s25, $0x2  }
0x115: {  	v6 =	vadd.f32 v15, v6;
	v14 =	vld [tilespmem:s24+$0xB3C0];
	v7 =	vadd.f32 v13, v7  }
0x116: {  	v4 =	vadd.f32 v2, v4;
	v5 =	vadd.f32 v3, v5;
	v13 =	vld [tilespmem:s24+$0xB3D0]  }
0x117: {  	v6 =	vadd.f32 v11, v6;
	v2 =	vld [tilespmem:s24+$0xB380];
	v7 =	vadd.f32 v12, v7  }
0x118: {  	v4 =	vadd.f32 v0, v4;
	v5 =	vadd.f32 v1, v5;
	v3 =	vld [tilespmem:s24+$0xB390]  }
0x119: {  	v6 =	vadd.f32 v10, v6;
	v8 =	vld [tilespmem:s24+$0xB340];
	v7 =	vadd.f32 v9, v7  }
0x11a: {  	v9 =	vld [tilespmem:s24+$0xB350];
	v0 =	vmov v14  }
0x11b: {  	v12 =	vld [tilespmem:s24+$0xB300];
	v1 =	vmov v13  }
0x11c: {  	v14 =	vld [tilespmem:s24+$0xB310]  }
0x11d: {  	v16 =	vld [tilespmem:s24+$0xB2C0]  }
0x11e: {  	v13 =	vld [tilespmem:s24+$0xB2D0]  }
0x11f: {  	v15 =	vld [tilespmem:s24+$0xB280]  }
0x120: {  	v10 =	vld [tilespmem:s24+$0xB290]  }
.Ltmp5:
0x121: {  	v11 =	vld [tilespmem:s24+$0xB240];
	(pc) =	sbr.rel @p1 .LBB2_9-.Ltmp5, $4  }
0x122: {  	v17 =	vld [tilespmem:s24+$0xB250]  }
0x123: {  	v18 =	vld [tilespmem:s24+$0xB200]  }
0x124: {  	v19 =	vld [tilespmem:s24+$0xB210]  }
0x125: {  	s25 =	sadd.s32 $0x800, s25;
	v20 =	vld [tilespmem:s24+$0xB220]  }
0x126: {  	v21 =	vld [tilespmem:s24+$0xB230]  }
0x127: {  	v22 =	vld [tilespmem:s24+$0xB260]  }
0x128: {  	v23 =	vld [tilespmem:s24+$0xB270]  }
0x129: {  	v24 =	vld [tilespmem:s24+$0xB2A0]  }
0x12a: {  	v52 =	vld [tilespmem:s24+$0xB2B0];
	v4 =	vadd.f32 v18, v4;
	v5 =	vadd.f32 v19, v5  }
0x12b: {  	v53 =	vld [tilespmem:s24+$0xB2E0];
	v6 =	vadd.f32 v20, v6;
	v7 =	vadd.f32 v21, v7  }
0x12c: {  	v54 =	vld [tilespmem:s24+$0xB2F0];
	v4 =	vadd.f32 v11, v4;
	v5 =	vadd.f32 v17, v5  }
0x12d: {  	v55 =	vld [tilespmem:s24+$0xB320];
	v6 =	vadd.f32 v22, v6;
	v7 =	vadd.f32 v23, v7  }
0x12e: {  	v56 =	vld [tilespmem:s24+$0xB330];
	v4 =	vadd.f32 v15, v4;
	v5 =	vadd.f32 v10, v5  }
0x12f: {  	v57 =	vld [tilespmem:s24+$0xB360];
	v6 =	vadd.f32 v24, v6;
	v7 =	vadd.f32 v52, v7  }
0x130: {  	v58 =	vld [tilespmem:s24+$0xB370];
	v4 =	vadd.f32 v16, v4;
	v5 =	vadd.f32 v13, v5  }
0x131: {  	v59 =	vld [tilespmem:s24+$0xB3A0];
	v6 =	vadd.f32 v53, v6;
	v7 =	vadd.f32 v54, v7  }
0x132: {  	v60 =	vld [tilespmem:s24+$0xB3B0];
	v4 =	vadd.f32 v12, v4;
	v5 =	vadd.f32 v14, v5  }
0x133: {  	v61 =	vld [tilespmem:s24+$0xB3E0];
	v6 =	vadd.f32 v55, v6;
	v7 =	vadd.f32 v56, v7  }
0x134: {  	v62 =	vld [tilespmem:s24+$0xB3F0];
	v4 =	vadd.f32 v8, v4;
	v5 =	vadd.f32 v9, v5  }
.Ltmp6:
0x135: {  	v6 =	vadd.f32 v57, v6;
	v7 =	vadd.f32 v58, v7;
	(pc) =	sbr.rel @p0 .LBB2_12-.Ltmp6, $4  }
0x136: {  	v2 =	vadd.f32 v2, v4;
	v4 =	vadd.f32 v3, v5  }
0x137: {  	v5 =	vadd.f32 v59, v6;
	v63 =	vadd.f32 v60, v7  }
0x138: {  	v3 =	vadd.f32 v0, v2;
	v2 =	vadd.f32 v1, v4  }
0x139: {  	v1 =	vadd.f32 v61, v5;
	v0 =	vadd.f32 v62, v63  }
0x13a: {  	s24 =	smul.u32 $0x640, s22;
	_ =	sdelay $0x1  }
0x13b: {  	s24 =	sshra.s32 s24, $0x2  }
0x13c: {  	s25 =	sadd.s32 $0x258, s24  }
0x13d: {  	[tilespmem:s13], [sflag:$0x3] =	stream.indirect.gather [hbm4b:s3+s8], $0x40, s25, s8, $0xb8;
	[tilespmem:$0xEC00] =	vst v63  }
0x13e: {  	s24 =	sadd.s32 $0x2C0, s24  }
0x13f: {  	[tilespmem:s15], [sflag:$0x4] =	stream.indirect.gather [hbm4b:s3+s10], $0x40, s24, s10, $0xb8;
	[tilespmem:$0xEC00] =	vst v63  }
.Ltmp7:
0x140: {  	_ = 	snop;
	(pc) =	sbr.rel .LBB2_2-.Ltmp7, $4  }
0x141: {  	[tilespmem:s23+$0xCC40] =	vst v3  }
0x142: {  	[tilespmem:s23+$0xCC50] =	vst v2  }
0x143: {  	[tilespmem:s23+$0xCC60] =	vst v1  }
0x144: {  	s22 =	sadd.s32 $0x1, s22;
	[tilespmem:s23+$0xCC70] =	vst v0  }
.LBB2_13:
0x145: {  	_ =	sfence.sel $0x180000  }
0x146: {  	[bflag:$0x0] =	sbarrier.arrive $0xFFFF  }
0x147: {  	p0 =	sne.s32 s0, $0x0;
	_ =	strace $0x90000047  }
0x148: {  	s0 =	sadd.s32 @!p0 $0x100000, s1;
	[bflag:$0x2] =	sbarrier.arrive $0xFFFF  }
0x149: {  	[sflag:s0] =	ssyncadd.tile.s32 @!p0 $0x1;
	_ =	shalt  }
.Lfunc_end2:
_tile_overlayer_lowered:
.L_overlay_start_2:
0x14a: {  	(tag) =	ssettag $0x2  }
0x14b: {  	s0 =	rddreg [dreg:$0x0];
	s2 =	stileid.u32  }
0x14c: {  	s1 =	rddreg [dreg:$0x1];
	p0 =	sne.s32 s2, $0x0  }
0x14d: {  	s3 =	rddreg [dreg:$0x2];
	[bflag:$0x3] =	sbarrier.arrive $0xFFFF;
	s2 =	simm.s32 @!p0 $0x1C05  }
0x14e: {  	[timem:s3], [sflag:s2] =	dma.local @!p0 [hbm:s0], s1  }
0x14f: {  	s0 =	simm.s32 @!p0 $0x5  }
0x150: {  	_ =	swait.ge @!p0 [sflag:s0], s1  }
0x151: {  	s1 =	ssub.s32 @!p0 $0x0, s1;
	[sflag:s0] =	ssyncset.done @!p0 $0x0  }
0x152: {  	[sflag:s0] =	ssyncadd.s32 @!p0 s1  }
0x153: {  	[bflag:$0x3] =	sbarrier.arrive $0xFFFF  }
0x154: {  	_ =	shalt  }

</sc_bundles>
